<compile_context>
chip_gen: v7x
topology: tpu7x:2x2x1
jax: 0.10.2.dev20260603
libtpu: 0.0.44.dev20260713+nightly
codegen_flags: <defaults>
</compile_context>

<pallas_src>
import functools

import jax
import jax.numpy as jnp
from jax import lax
from jax.experimental import pallas as pl
from jax.experimental.pallas import tpu as pltpu
from jax.experimental.pallas import tpu_sc as plsc

_QP = 320
_CSC = 1024
_F = 128
_NC, _NS, _L = 2, 16, 16



def _tc_body(K, Q, CW, tab_ref, pred_ref, tgt_ref, out_ref, g_ref):
    first = pl.program_id(0) == 0

    @pl.when(first)
    def _():
        ioq = lax.broadcasted_iota(jnp.int32, (_QP, Q), 0)
        g = jnp.where(ioq == Q, tab_ref[2 * K:2 * K + 1], 0.0)
        g += jnp.where(ioq == Q + 1, tab_ref[2 * K + 1:2 * K + 2], 0.0)
        for k in range(K):
            idx_k = tab_ref[k:k + 1].astype(jnp.int32)
            g += jnp.where(ioq == idx_k, tab_ref[K + k:K + k + 1], 0.0)
        g_ref[...] = g.astype(jnp.bfloat16)

    x = pred_ref[0]
    t = tgt_ref[0]
    ioq2 = lax.broadcasted_iota(jnp.int32, (Q, CW), 0)
    onehot = (ioq2 == t).astype(jnp.bfloat16)
    coef = jnp.dot(g_ref[...], onehot, preferred_element_type=jnp.float32)

    m = jnp.max(x, axis=0, keepdims=True)
    lse = m + jnp.log(jnp.sum(jnp.exp(x - m), axis=0, keepdims=True))
    s8 = jnp.sum(coef[312:320], axis=0, keepdims=True)
    w2l = s8 - coef[312:313]
    term = (jnp.sum(coef[:Q] * x) - jnp.sum(w2l * lse)).reshape(1, 1)

    @pl.when(first)
    def _():
        out_ref[...] = jnp.zeros((1, 1), jnp.float32)

    out_ref[...] += term



def _sc_body(Q, K, HW, pred3_hbm, tgt_hbm, idxt_hbm, w2t_hbm,
             wl_hbm, p1_hbm, mm_hbm, ss_hbm, ww_hbm,
             idxt_v, w2t_v, wl_v, tgt_v, chunk_v, p1_v, m_v, s_v, w_v):
    wid = lax.axis_index("s") * _NC + lax.axis_index("c")
    pltpu.sync_copy(idxt_hbm, idxt_v)
    pltpu.sync_copy(w2t_hbm, w2t_v)
    pltpu.sync_copy(wl_hbm, wl_v)
    pltpu.sync_copy(tgt_hbm.at[wid], tgt_v)

    lanes = lax.iota(jnp.int32, _L)
    unroll = 8
    qmain = (Q // unroll) * unroll

    off = HW - _CSC

    def chunk_loop(c, _):
        pltpu.sync_copy(pred3_hbm.at[wid, :, pl.ds(off + c * _F, _F)],
                        chunk_v)

        def group_loop(g, _):
            pix = c * _F + g * _L
            t = tgt_v[pl.ds(off + pix, _L)]
            col = g * _L + lanes
            sl = pl.ds(g * _L, _L)

            def max_body(i, mc):
                q0 = i * unroll
                for d in range(unroll):
                    mc = jnp.maximum(mc, chunk_v[q0 + d, sl])
                return mc

            m = lax.fori_loop(0, Q // unroll, max_body,
                              jnp.full((_L,), -3e38, jnp.float32))
            for q in range(qmain, Q):
                m = jnp.maximum(m, chunk_v[q, sl])

            def sum_body(i, sc):
                q0 = i * unroll
                for d in range(unroll):
                    sc = sc + jnp.exp(chunk_v[q0 + d, sl] - m)
                return sc

            s = lax.fori_loop(0, Q // unroll, sum_body,
                              jnp.zeros((_L,), jnp.float32))
            for q in range(qmain, Q):
                s = s + jnp.exp(chunk_v[q, sl] - m)

            acc = jnp.zeros((_L,), jnp.float32)
            for k in range(K):
                ik = plsc.load_gather(idxt_v, [t + k * Q])
                wk = plsc.load_gather(w2t_v, [t + k * Q])
                acc += wk * plsc.load_gather(chunk_v, [ik, col])
            p1_v[pl.ds(pix, _L)] = acc
            m_v[pl.ds(pix, _L)] = m
            s_v[pl.ds(pix, _L)] = s
            w_v[pl.ds(pix, _L)] = plsc.load_gather(wl_v, [t])
            return 0

        lax.fori_loop(0, _F // _L, group_loop, 0)
        return 0

    lax.fori_loop(0, _CSC // _F, chunk_loop, 0)

    pltpu.sync_copy(p1_v, p1_hbm.at[wid])
    pltpu.sync_copy(m_v, mm_hbm.at[wid])
    pltpu.sync_copy(s_v, ss_hbm.at[wid])
    pltpu.sync_copy(w_v, ww_hbm.at[wid])



def _comb_body(p1_ref, mm_ref, ss_ref, ww_ref, out_ref):
    lse = mm_ref[...] + jnp.log(ss_ref[...])
    out_ref[...] = (jnp.sum(p1_ref[...])
                    - jnp.sum(ww_ref[...] * lse)).reshape(1, 1)


def kernel(pred, target, knn_idx, knn_weights, weights):
    B, Q, H, W = pred.shape
    K = knn_idx.shape[1]
    HW = H * W
    CW = HW - _CSC
    pred3 = pred.reshape(B, Q, HW)
    tgt2 = target.reshape(B, HW)
    tgt3 = target.reshape(B, 1, HW)

    w2 = weights[:, None] * knn_weights
    wl = weights * jnp.sum(knn_weights, axis=1)
    wl_hi = wl.astype(jnp.bfloat16).astype(jnp.float32)
    wl_lo = (wl - wl_hi).astype(jnp.bfloat16).astype(jnp.float32)
    rows = 2 * K + 2
    pad = (-rows) % 8
    tab = jnp.concatenate(
        [knn_idx.T.astype(jnp.float32), w2.T, wl_hi[None, :], wl_lo[None, :],
         jnp.zeros((pad, Q), jnp.float32)], axis=0)

    sc = functools.partial(
        pl.kernel,
        out_type=[jax.ShapeDtypeStruct((B, _CSC), jnp.float32)] * 4,
        mesh=plsc.VectorSubcoreMesh(core_axis_name="c", subcore_axis_name="s"),
        compiler_params=pltpu.CompilerParams(
            use_tc_tiling_on_sc=True, needs_layout_passes=False),
        scratch_types=[
            pltpu.VMEM((K * Q,), jnp.int32),
            pltpu.VMEM((K * Q,), jnp.float32),
            pltpu.VMEM((Q,), jnp.float32),
            pltpu.VMEM((HW,), jnp.int32),
            pltpu.VMEM((Q, _F), jnp.float32),
            pltpu.VMEM((_CSC,), jnp.float32),
            pltpu.VMEM((_CSC,), jnp.float32),
            pltpu.VMEM((_CSC,), jnp.float32),
            pltpu.VMEM((_CSC,), jnp.float32),
        ],
    )(functools.partial(_sc_body, Q, K, HW))
    p1, mm, ss, ww = sc(pred3, tgt2,
                        knn_idx.T.reshape(K * Q), w2.T.reshape(K * Q), wl)

    term_tc = pl.pallas_call(
        functools.partial(_tc_body, K, Q, CW),
        grid=(B,),
        in_specs=[
            pl.BlockSpec((rows + pad, Q), lambda b: (0, 0)),
            pl.BlockSpec((1, Q, CW), lambda b: (b, 0, 0)),
            pl.BlockSpec((1, 1, CW), lambda b: (b, 0, 0)),
        ],
        out_specs=pl.BlockSpec((1, 1), lambda b: (0, 0)),
        out_shape=jax.ShapeDtypeStruct((1, 1), jnp.float32),
        scratch_shapes=[pltpu.VMEM((_QP, Q), jnp.bfloat16)],
    )(tab, pred3, tgt3)

    term_sc = pl.pallas_call(
        _comb_body,
        out_shape=jax.ShapeDtypeStruct((1, 1), jnp.float32),
    )(p1, mm, ss, ww)

    return -(term_tc[0, 0] + term_sc[0, 0]) / (B * HW)

# --- scband reference (transcript-rebuilt; emitter-appended) ---
"""Pipeline reference for scband-color-loss-61521111548490 (READ-ONLY COPY).

The authoritative reference and input builder live on the scoring server;
editing this copy changes nothing except your own understanding.
"""

import jax, jax.numpy as jnp
import numpy as np

B, Q, H, W, K = 32, 313, 64, 64, 5

def setup_inputs(seed: int = 0) -> dict:
    key = jax.random.key(seed)
    k1, k2, k3, k4, k5 = jax.random.split(key, 5)
    pred = jax.random.normal(k1, (B, Q, H, W), dtype=jnp.float32)
    target = jax.random.randint(k2, (B, 1, H, W), 0, Q, dtype=jnp.int32)
    knn_idx = jax.random.randint(k3, (Q, K), 0, Q, dtype=jnp.int32)
    knn_weights = jax.random.uniform(k4, (Q, K), dtype=jnp.float32)
    knn_weights = knn_weights / jnp.sum(knn_weights, axis=1, keepdims=True)
    weights = jax.random.uniform(k5, (Q,), dtype=jnp.float32)
    return {"pred": pred, "target": target, "knn_idx": knn_idx, "knn_weights": knn_weights, "weights": weights}

def reference(pred, target, knn_idx, knn_weights, weights):
    prob = jax.nn.log_softmax(pred, axis=1)
    target_idx = jnp.squeeze(target, axis=1)            # [B, H, W]
    idx = knn_idx[target_idx]                            # [B, H, W, K]  (gather)
    wts = knn_weights[target_idx]                        # [B, H, W, K]
    w = weights[target_idx]                              # [B, H, W]
    idx = jnp.transpose(idx, (0, 3, 1, 2))               # [B, K, H, W]
    wts = jnp.transpose(wts, (0, 3, 1, 2))               # [B, K, H, W]
    p = jnp.take_along_axis(prob, idx, axis=1)           # gather along class dim
    loss = -jnp.mean(jnp.sum(p * wts, axis=1) * w)
    return loss

if __name__ == "__main__":
    import jax
    _d = setup_inputs()
    print(jax.jit(kernel)(*tuple(_d.values())))

</pallas_src>

<mosaic_0001>
#map = affine_map<(d0, d1) -> (0, 0, 0)>
#map1 = affine_map<(d0, d1) -> (0, 0)>
#map2 = affine_map<(d0, d1) -> (0)>
module attributes {stable_mosaic.version = 14 : i64} {
  func.func @_sc_body(%arg0: i32, %arg1: i32, %arg2: memref<32x313x4096xf32, #tpu.memory_space<hbm>>, %arg3: memref<32x4096xi32, #tpu.memory_space<hbm>>, %arg4: memref<1565xi32, #tpu.memory_space<hbm>>, %arg5: memref<1565xf32, #tpu.memory_space<hbm>>, %arg6: memref<313xf32, #tpu.memory_space<hbm>>, %arg7: memref<32x1024xf32, #tpu.memory_space<hbm>>, %arg8: memref<32x1024xf32, #tpu.memory_space<hbm>>, %arg9: memref<32x1024xf32, #tpu.memory_space<hbm>>, %arg10: memref<32x1024xf32, #tpu.memory_space<hbm>>, %arg11: memref<1565xi32, #tpu.memory_space<vmem>>, %arg12: memref<1565xf32, #tpu.memory_space<vmem>>, %arg13: memref<313xf32, #tpu.memory_space<vmem>>, %arg14: memref<4096xi32, #tpu.memory_space<vmem>>, %arg15: memref<313x128xf32, #tpu.memory_space<vmem>>, %arg16: memref<1024xf32, #tpu.memory_space<vmem>>, %arg17: memref<1024xf32, #tpu.memory_space<vmem>>, %arg18: memref<1024xf32, #tpu.memory_space<vmem>>, %arg19: memref<1024xf32, #tpu.memory_space<vmem>>) attributes {dimension_semantics = [#tpu.dimension_semantics<core_parallel>, #tpu.dimension_semantics<subcore_parallel>], iteration_bounds = array<i64: 2, 16>, scalar_prefetch = 0 : i64, scratch_operands = 9 : i64, tpu.core_type = #tpu.core_type<sc_vector_subcore>, window_params = [{transform_indices = #map}, {transform_indices = #map1}, {transform_indices = #map2}, {transform_indices = #map2}, {transform_indices = #map2}, {transform_indices = #map1}, {transform_indices = #map1}, {transform_indices = #map1}, {transform_indices = #map1}]} {
    %mul3A = arith.constant 2 : i32
    %mul3A_0 = arith.muli %arg1, %mul3A : i32
    %add3A = arith.addi %mul3A_0, %arg0 : i32
    "tpu.region"() ({
      %run_scoped3A = tpu.sem_alloc : memref<!tpu.dma_semaphore, #tpu.memory_space<semaphore_mem>>
      tpu.enqueue_dma source(%arg4 : memref<1565xi32, #tpu.memory_space<hbm>>) target(%arg11 : memref<1565xi32, #tpu.memory_space<vmem>>) target_semaphore(%run_scoped3A : memref<!tpu.dma_semaphore, #tpu.memory_space<semaphore_mem>>)
      tpu.wait_dma2 semaphore(%run_scoped3A : memref<!tpu.dma_semaphore, #tpu.memory_space<semaphore_mem>>) src(%arg4 : memref<1565xi32, #tpu.memory_space<hbm>>) dst(%arg11 : memref<1565xi32, #tpu.memory_space<vmem>>)
      tpu.yield
    }) : () -> ()
    "tpu.region"() ({
      %run_scoped3A = tpu.sem_alloc : memref<!tpu.dma_semaphore, #tpu.memory_space<semaphore_mem>>
      tpu.enqueue_dma source(%arg5 : memref<1565xf32, #tpu.memory_space<hbm>>) target(%arg12 : memref<1565xf32, #tpu.memory_space<vmem>>) target_semaphore(%run_scoped3A : memref<!tpu.dma_semaphore, #tpu.memory_space<semaphore_mem>>)
      tpu.wait_dma2 semaphore(%run_scoped3A : memref<!tpu.dma_semaphore, #tpu.memory_space<semaphore_mem>>) src(%arg5 : memref<1565xf32, #tpu.memory_space<hbm>>) dst(%arg12 : memref<1565xf32, #tpu.memory_space<vmem>>)
      tpu.yield
    }) : () -> ()
    "tpu.region"() ({
      %run_scoped3A = tpu.sem_alloc : memref<!tpu.dma_semaphore, #tpu.memory_space<semaphore_mem>>
      tpu.enqueue_dma source(%arg6 : memref<313xf32, #tpu.memory_space<hbm>>) target(%arg13 : memref<313xf32, #tpu.memory_space<vmem>>) target_semaphore(%run_scoped3A : memref<!tpu.dma_semaphore, #tpu.memory_space<semaphore_mem>>)
      tpu.wait_dma2 semaphore(%run_scoped3A : memref<!tpu.dma_semaphore, #tpu.memory_space<semaphore_mem>>) src(%arg6 : memref<313xf32, #tpu.memory_space<hbm>>) dst(%arg13 : memref<313xf32, #tpu.memory_space<vmem>>)
      tpu.yield
    }) : () -> ()
    "tpu.region"() ({
      %run_scoped3A = tpu.sem_alloc : memref<!tpu.dma_semaphore, #tpu.memory_space<semaphore_mem>>
      %dma_start3A = arith.constant 0 : i32
      %dma_start3A_7 = tpu.memref_slice %arg3[%add3A, %dma_start3A] : memref<32x4096xi32, #tpu.memory_space<hbm>> -> memref<1x4096xi32, #tpu.memory_space<hbm>>
      %dma_start3A_8 = tpu.memref_squeeze %dma_start3A_7 : memref<1x4096xi32, #tpu.memory_space<hbm>> -> memref<4096xi32, #tpu.memory_space<hbm>>
      %dma_start3A_9 = arith.constant 0 : i32
      %dma_start3A_10 = tpu.memref_slice %arg3[%add3A, %dma_start3A_9] : memref<32x4096xi32, #tpu.memory_space<hbm>> -> memref<1x4096xi32, #tpu.memory_space<hbm>>
      %dma_start3A_11 = tpu.memref_squeeze %dma_start3A_10 : memref<1x4096xi32, #tpu.memory_space<hbm>> -> memref<4096xi32, #tpu.memory_space<hbm>>
      tpu.enqueue_dma source(%dma_start3A_11 : memref<4096xi32, #tpu.memory_space<hbm>>) target(%arg14 : memref<4096xi32, #tpu.memory_space<vmem>>) target_semaphore(%run_scoped3A : memref<!tpu.dma_semaphore, #tpu.memory_space<semaphore_mem>>)
      %dma_wait3A = arith.constant 0 : i32
      %dma_wait3A_12 = tpu.memref_slice %arg3[%add3A, %dma_wait3A] : memref<32x4096xi32, #tpu.memory_space<hbm>> -> memref<1x4096xi32, #tpu.memory_space<hbm>>
      %dma_wait3A_13 = tpu.memref_squeeze %dma_wait3A_12 : memref<1x4096xi32, #tpu.memory_space<hbm>> -> memref<4096xi32, #tpu.memory_space<hbm>>
      %dma_wait3A_14 = arith.constant 0 : i32
      %dma_wait3A_15 = tpu.memref_slice %arg3[%add3A, %dma_wait3A_14] : memref<32x4096xi32, #tpu.memory_space<hbm>> -> memref<1x4096xi32, #tpu.memory_space<hbm>>
      %dma_wait3A_16 = tpu.memref_squeeze %dma_wait3A_15 : memref<1x4096xi32, #tpu.memory_space<hbm>> -> memref<4096xi32, #tpu.memory_space<hbm>>
      tpu.wait_dma2 semaphore(%run_scoped3A : memref<!tpu.dma_semaphore, #tpu.memory_space<semaphore_mem>>) src(%dma_wait3A_16 : memref<4096xi32, #tpu.memory_space<hbm>>) dst(%arg14 : memref<4096xi32, #tpu.memory_space<vmem>>)
      tpu.yield
    }) : () -> ()
    %iota3A = tpu.iota {dimensions = array<i32: 0>} : vector<16xi32>
    %scan3A = arith.constant 0 : i32
    %scan3A_1 = arith.constant 0 : i32
    %scan3A_2 = arith.constant 8 : i32
    %scan3A_3 = arith.addi %scan3A_1, %scan3A_2 : i32
    %scan3A_4 = arith.constant 1 : i32
    %scan3A_5 = scf.for %scan3A_7 = %scan3A_1 to %scan3A_3 step %scan3A_4 iter_args(%scan3A_8 = %scan3A) -> (i32)  : i32 {
      %mul3A_9 = arith.constant 128 : i32
      %mul3A_10 = arith.muli %scan3A_7, %mul3A_9 : i32
      %add3A_11 = arith.constant 3072 : i32
      %add3A_12 = arith.addi %add3A_11, %mul3A_10 : i32
      "tpu.region"() ({
        %run_scoped3A = tpu.sem_alloc : memref<!tpu.dma_semaphore, #tpu.memory_space<semaphore_mem>>
        %dma_start3A = arith.constant 0 : i32
        %dma_start3A_21 = tpu.memref_slice %arg2[%add3A, %dma_start3A, %add3A_12] : memref<32x313x4096xf32, #tpu.memory_space<hbm>> -> memref<1x313x128xf32, #tpu.memory_space<hbm>>
        %dma_start3A_22 = tpu.memref_squeeze %dma_start3A_21 : memref<1x313x128xf32, #tpu.memory_space<hbm>> -> memref<313x128xf32, #tpu.memory_space<hbm>>
        %dma_start3A_23 = arith.constant 0 : i32
        %dma_start3A_24 = tpu.memref_slice %arg2[%add3A, %dma_start3A_23, %add3A_12] : memref<32x313x4096xf32, #tpu.memory_space<hbm>> -> memref<1x313x128xf32, #tpu.memory_space<hbm>>
        %dma_start3A_25 = tpu.memref_squeeze %dma_start3A_24 : memref<1x313x128xf32, #tpu.memory_space<hbm>> -> memref<313x128xf32, #tpu.memory_space<hbm>>
        tpu.enqueue_dma source(%dma_start3A_25 : memref<313x128xf32, #tpu.memory_space<hbm>>) target(%arg15 : memref<313x128xf32, #tpu.memory_space<vmem>>) target_semaphore(%run_scoped3A : memref<!tpu.dma_semaphore, #tpu.memory_space<semaphore_mem>>)
        %dma_wait3A = arith.constant 0 : i32
        %dma_wait3A_26 = tpu.memref_slice %arg2[%add3A, %dma_wait3A, %add3A_12] : memref<32x313x4096xf32, #tpu.memory_space<hbm>> -> memref<1x313x128xf32, #tpu.memory_space<hbm>>
        %dma_wait3A_27 = tpu.memref_squeeze %dma_wait3A_26 : memref<1x313x128xf32, #tpu.memory_space<hbm>> -> memref<313x128xf32, #tpu.memory_space<hbm>>
        %dma_wait3A_28 = arith.constant 0 : i32
        %dma_wait3A_29 = tpu.memref_slice %arg2[%add3A, %dma_wait3A_28, %add3A_12] : memref<32x313x4096xf32, #tpu.memory_space<hbm>> -> memref<1x313x128xf32, #tpu.memory_space<hbm>>
        %dma_wait3A_30 = tpu.memref_squeeze %dma_wait3A_29 : memref<1x313x128xf32, #tpu.memory_space<hbm>> -> memref<313x128xf32, #tpu.memory_space<hbm>>
        tpu.wait_dma2 semaphore(%run_scoped3A : memref<!tpu.dma_semaphore, #tpu.memory_space<semaphore_mem>>) src(%dma_wait3A_30 : memref<313x128xf32, #tpu.memory_space<hbm>>) dst(%arg15 : memref<313x128xf32, #tpu.memory_space<vmem>>)
        tpu.yield
      }) : () -> ()
      %scan3A_13 = arith.constant 0 : i32
      %scan3A_14 = arith.constant 0 : i32
      %scan3A_15 = arith.constant 8 : i32
      %scan3A_16 = arith.addi %scan3A_14, %scan3A_15 : i32
      %scan3A_17 = arith.constant 1 : i32
      %scan3A_18 = scf.for %scan3A_21 = %scan3A_14 to %scan3A_16 step %scan3A_17 iter_args(%scan3A_22 = %scan3A_13) -> (i32)  : i32 {
        %mul3A_23 = arith.constant 128 : i32
        %mul3A_24 = arith.muli %scan3A_7, %mul3A_23 : i32
        %mul3A_25 = arith.constant 16 : i32
        %mul3A_26 = arith.muli %scan3A_21, %mul3A_25 : i32
        %add3A_27 = arith.addi %mul3A_24, %mul3A_26 : i32
        %add3A_28 = arith.constant 3072 : i32
        %add3A_29 = arith.addi %add3A_28, %add3A_27 : i32
        %get3A = arith.index_cast %add3A_29 : i32 to index
        %get3A_30 = tpu.vector_load %arg14[%get3A] {strides = array<i32>} : memref<4096xi32, #tpu.memory_space<vmem>>, vector<16xi32>,
        %mul3A_31 = arith.constant 16 : i32
        %mul3A_32 = arith.muli %scan3A_21, %mul3A_31 : i32
        %add3A_33 = vector.broadcast %mul3A_32 : i32 to vector<16xi32>
        %add3A_34 = arith.addi %add3A_33, %iota3A : vector<16xi32>
        %mul3A_35 = arith.constant 16 : i32
        %mul3A_36 = arith.muli %scan3A_21, %mul3A_35 : i32
        %broadcast_in_dim3A = arith.constant -3.000000e+38 : f32
        %broadcast_in_dim3A_37 = vector.broadcast %broadcast_in_dim3A : f32 to vector<16xf32>
        %scan3A_38 = arith.constant 0 : i32
        %scan3A_39 = arith.constant 39 : i32
        %scan3A_40 = arith.addi %scan3A_38, %scan3A_39 : i32
        %scan3A_41 = arith.constant 1 : i32
        %scan3A_42 = scf.for %scan3A_126 = %scan3A_38 to %scan3A_40 step %scan3A_41 iter_args(%scan3A_127 = %broadcast_in_dim3A_37) -> (vector<16xf32>)  : i32 {
          %mul3A_128 = arith.constant 8 : i32
          %mul3A_129 = arith.muli %scan3A_126, %mul3A_128 : i32
          %add3A_130 = arith.constant 0 : i32
          %add3A_131 = arith.addi %mul3A_129, %add3A_130 : i32
          %get3A_132 = arith.index_cast %add3A_131 : i32 to index
          %get3A_133 = arith.index_cast %mul3A_36 : i32 to index
          %get3A_134 = tpu.vector_load %arg15[%get3A_132, %get3A_133] {strides = array<i32>} : memref<313x128xf32, #tpu.memory_space<vmem>>, vector<16xf32>,
          %max3A_135 = arith.maximumf %scan3A_127, %get3A_134 : vector<16xf32>
          %add3A_136 = arith.constant 1 : i32
          %add3A_137 = arith.addi %mul3A_129, %add3A_136 : i32
          %get3A_138 = arith.index_cast %add3A_137 : i32 to index
          %get3A_139 = arith.index_cast %mul3A_36 : i32 to index
          %get3A_140 = tpu.vector_load %arg15[%get3A_138, %get3A_139] {strides = array<i32>} : memref<313x128xf32, #tpu.memory_space<vmem>>, vector<16xf32>,
          %max3A_141 = arith.maximumf %max3A_135, %get3A_140 : vector<16xf32>
          %add3A_142 = arith.constant 2 : i32
          %add3A_143 = arith.addi %mul3A_129, %add3A_142 : i32
          %get3A_144 = arith.index_cast %add3A_143 : i32 to index
          %get3A_145 = arith.index_cast %mul3A_36 : i32 to index
          %get3A_146 = tpu.vector_load %arg15[%get3A_144, %get3A_145] {strides = array<i32>} : memref<313x128xf32, #tpu.memory_space<vmem>>, vector<16xf32>,
          %max3A_147 = arith.maximumf %max3A_141, %get3A_146 : vector<16xf32>
          %add3A_148 = arith.constant 3 : i32
          %add3A_149 = arith.addi %mul3A_129, %add3A_148 : i32
          %get3A_150 = arith.index_cast %add3A_149 : i32 to index
          %get3A_151 = arith.index_cast %mul3A_36 : i32 to index
          %get3A_152 = tpu.vector_load %arg15[%get3A_150, %get3A_151] {strides = array<i32>} : memref<313x128xf32, #tpu.memory_space<vmem>>, vector<16xf32>,
          %max3A_153 = arith.maximumf %max3A_147, %get3A_152 : vector<16xf32>
          %add3A_154 = arith.constant 4 : i32
          %add3A_155 = arith.addi %mul3A_129, %add3A_154 : i32
          %get3A_156 = arith.index_cast %add3A_155 : i32 to index
          %get3A_157 = arith.index_cast %mul3A_36 : i32 to index
          %get3A_158 = tpu.vector_load %arg15[%get3A_156, %get3A_157] {strides = array<i32>} : memref<313x128xf32, #tpu.memory_space<vmem>>, vector<16xf32>,
          %max3A_159 = arith.maximumf %max3A_153, %get3A_158 : vector<16xf32>
          %add3A_160 = arith.constant 5 : i32
          %add3A_161 = arith.addi %mul3A_129, %add3A_160 : i32
          %get3A_162 = arith.index_cast %add3A_161 : i32 to index
          %get3A_163 = arith.index_cast %mul3A_36 : i32 to index
          %get3A_164 = tpu.vector_load %arg15[%get3A_162, %get3A_163] {strides = array<i32>} : memref<313x128xf32, #tpu.memory_space<vmem>>, vector<16xf32>,
          %max3A_165 = arith.maximumf %max3A_159, %get3A_164 : vector<16xf32>
          %add3A_166 = arith.constant 6 : i32
          %add3A_167 = arith.addi %mul3A_129, %add3A_166 : i32
          %get3A_168 = arith.index_cast %add3A_167 : i32 to index
          %get3A_169 = arith.index_cast %mul3A_36 : i32 to index
          %get3A_170 = tpu.vector_load %arg15[%get3A_168, %get3A_169] {strides = array<i32>} : memref<313x128xf32, #tpu.memory_space<vmem>>, vector<16xf32>,
          %max3A_171 = arith.maximumf %max3A_165, %get3A_170 : vector<16xf32>
          %add3A_172 = arith.constant 7 : i32
          %add3A_173 = arith.addi %mul3A_129, %add3A_172 : i32
          %get3A_174 = arith.index_cast %add3A_173 : i32 to index
          %get3A_175 = arith.index_cast %mul3A_36 : i32 to index
          %get3A_176 = tpu.vector_load %arg15[%get3A_174, %get3A_175] {strides = array<i32>} : memref<313x128xf32, #tpu.memory_space<vmem>>, vector<16xf32>,
          %max3A_177 = arith.maximumf %max3A_171, %get3A_176 : vector<16xf32>
          scf.yield %max3A_177 : vector<16xf32>
        }
        %scan3A_43 = arith.constant 39 : i32
        %get3A_44 = arith.constant 312 : i32
        %get3A_45 = arith.index_cast %get3A_44 : i32 to index
        %get3A_46 = arith.index_cast %mul3A_36 : i32 to index
        %get3A_47 = tpu.vector_load %arg15[%get3A_45, %get3A_46] {strides = array<i32>} : memref<313x128xf32, #tpu.memory_space<vmem>>, vector<16xf32>,
        %max3A = arith.maximumf %scan3A_42, %get3A_47 : vector<16xf32>
        %broadcast_in_dim3A_48 = arith.constant 0.000000e+00 : f32
        %broadcast_in_dim3A_49 = vector.broadcast %broadcast_in_dim3A_48 : f32 to vector<16xf32>
        %scan3A_50 = arith.constant 0 : i32
        %scan3A_51 = arith.constant 39 : i32
        %scan3A_52 = arith.addi %scan3A_50, %scan3A_51 : i32
        %scan3A_53 = arith.constant 1 : i32
        %scan3A_54 = scf.for %scan3A_126 = %scan3A_50 to %scan3A_52 step %scan3A_53 iter_args(%scan3A_127 = %broadcast_in_dim3A_49) -> (vector<16xf32>)  : i32 {
          %mul3A_128 = arith.constant 8 : i32
          %mul3A_129 = arith.muli %scan3A_126, %mul3A_128 : i32
          %add3A_130 = arith.constant 0 : i32
          %add3A_131 = arith.addi %mul3A_129, %add3A_130 : i32
          %get3A_132 = arith.index_cast %add3A_131 : i32 to index
          %get3A_133 = arith.index_cast %mul3A_36 : i32 to index
          %get3A_134 = tpu.vector_load %arg15[%get3A_132, %get3A_133] {strides = array<i32>} : memref<313x128xf32, #tpu.memory_space<vmem>>, vector<16xf32>,
          %sub3A_135 = arith.subf %get3A_134, %max3A : vector<16xf32>
          %exp3A_136 = math.exp %sub3A_135 : vector<16xf32>
          %add3A_137 = arith.addf %scan3A_127, %exp3A_136 : vector<16xf32>
          %add3A_138 = arith.constant 1 : i32
          %add3A_139 = arith.addi %mul3A_129, %add3A_138 : i32
          %get3A_140 = arith.index_cast %add3A_139 : i32 to index
          %get3A_141 = arith.index_cast %mul3A_36 : i32 to index
          %get3A_142 = tpu.vector_load %arg15[%get3A_140, %get3A_141] {strides = array<i32>} : memref<313x128xf32, #tpu.memory_space<vmem>>, vector<16xf32>,
          %sub3A_143 = arith.subf %get3A_142, %max3A : vector<16xf32>
          %exp3A_144 = math.exp %sub3A_143 : vector<16xf32>
          %add3A_145 = arith.addf %add3A_137, %exp3A_144 : vector<16xf32>
          %add3A_146 = arith.constant 2 : i32
          %add3A_147 = arith.addi %mul3A_129, %add3A_146 : i32
          %get3A_148 = arith.index_cast %add3A_147 : i32 to index
          %get3A_149 = arith.index_cast %mul3A_36 : i32 to index
          %get3A_150 = tpu.vector_load %arg15[%get3A_148, %get3A_149] {strides = array<i32>} : memref<313x128xf32, #tpu.memory_space<vmem>>, vector<16xf32>,
          %sub3A_151 = arith.subf %get3A_150, %max3A : vector<16xf32>
          %exp3A_152 = math.exp %sub3A_151 : vector<16xf32>
          %add3A_153 = arith.addf %add3A_145, %exp3A_152 : vector<16xf32>
          %add3A_154 = arith.constant 3 : i32
          %add3A_155 = arith.addi %mul3A_129, %add3A_154 : i32
          %get3A_156 = arith.index_cast %add3A_155 : i32 to index
          %get3A_157 = arith.index_cast %mul3A_36 : i32 to index
          %get3A_158 = tpu.vector_load %arg15[%get3A_156, %get3A_157] {strides = array<i32>} : memref<313x128xf32, #tpu.memory_space<vmem>>, vector<16xf32>,
          %sub3A_159 = arith.subf %get3A_158, %max3A : vector<16xf32>
          %exp3A_160 = math.exp %sub3A_159 : vector<16xf32>
          %add3A_161 = arith.addf %add3A_153, %exp3A_160 : vector<16xf32>
          %add3A_162 = arith.constant 4 : i32
          %add3A_163 = arith.addi %mul3A_129, %add3A_162 : i32
          %get3A_164 = arith.index_cast %add3A_163 : i32 to index
          %get3A_165 = arith.index_cast %mul3A_36 : i32 to index
          %get3A_166 = tpu.vector_load %arg15[%get3A_164, %get3A_165] {strides = array<i32>} : memref<313x128xf32, #tpu.memory_space<vmem>>, vector<16xf32>,
          %sub3A_167 = arith.subf %get3A_166, %max3A : vector<16xf32>
          %exp3A_168 = math.exp %sub3A_167 : vector<16xf32>
          %add3A_169 = arith.addf %add3A_161, %exp3A_168 : vector<16xf32>
          %add3A_170 = arith.constant 5 : i32
          %add3A_171 = arith.addi %mul3A_129, %add3A_170 : i32
          %get3A_172 = arith.index_cast %add3A_171 : i32 to index
          %get3A_173 = arith.index_cast %mul3A_36 : i32 to index
          %get3A_174 = tpu.vector_load %arg15[%get3A_172, %get3A_173] {strides = array<i32>} : memref<313x128xf32, #tpu.memory_space<vmem>>, vector<16xf32>,
          %sub3A_175 = arith.subf %get3A_174, %max3A : vector<16xf32>
          %exp3A_176 = math.exp %sub3A_175 : vector<16xf32>
          %add3A_177 = arith.addf %add3A_169, %exp3A_176 : vector<16xf32>
          %add3A_178 = arith.constant 6 : i32
          %add3A_179 = arith.addi %mul3A_129, %add3A_178 : i32
          %get3A_180 = arith.index_cast %add3A_179 : i32 to index
          %get3A_181 = arith.index_cast %mul3A_36 : i32 to index
          %get3A_182 = tpu.vector_load %arg15[%get3A_180, %get3A_181] {strides = array<i32>} : memref<313x128xf32, #tpu.memory_space<vmem>>, vector<16xf32>,
          %sub3A_183 = arith.subf %get3A_182, %max3A : vector<16xf32>
          %exp3A_184 = math.exp %sub3A_183 : vector<16xf32>
          %add3A_185 = arith.addf %add3A_177, %exp3A_184 : vector<16xf32>
          %add3A_186 = arith.constant 7 : i32
          %add3A_187 = arith.addi %mul3A_129, %add3A_186 : i32
          %get3A_188 = arith.index_cast %add3A_187 : i32 to index
          %get3A_189 = arith.index_cast %mul3A_36 : i32 to index
          %get3A_190 = tpu.vector_load %arg15[%get3A_188, %get3A_189] {strides = array<i32>} : memref<313x128xf32, #tpu.memory_space<vmem>>, vector<16xf32>,
          %sub3A_191 = arith.subf %get3A_190, %max3A : vector<16xf32>
          %exp3A_192 = math.exp %sub3A_191 : vector<16xf32>
          %add3A_193 = arith.addf %add3A_185, %exp3A_192 : vector<16xf32>
          scf.yield %add3A_193 : vector<16xf32>
        }
        %scan3A_55 = arith.constant 39 : i32
        %get3A_56 = arith.constant 312 : i32
        %get3A_57 = arith.index_cast %get3A_56 : i32 to index
        %get3A_58 = arith.index_cast %mul3A_36 : i32 to index
        %get3A_59 = tpu.vector_load %arg15[%get3A_57, %get3A_58] {strides = array<i32>} : memref<313x128xf32, #tpu.memory_space<vmem>>, vector<16xf32>,
        %sub3A = arith.subf %get3A_59, %max3A : vector<16xf32>
        %exp3A = math.exp %sub3A : vector<16xf32>
        %add3A_60 = arith.addf %scan3A_54, %exp3A : vector<16xf32>
        %broadcast_in_dim3A_61 = arith.constant 0.000000e+00 : f32
        %broadcast_in_dim3A_62 = vector.broadcast %broadcast_in_dim3A_61 : f32 to vector<16xf32>
        %add3A_63 = arith.constant 0 : i32
        %add3A_64 = vector.broadcast %add3A_63 : i32 to vector<16xi32>
        %add3A_65 = arith.addi %get3A_30, %add3A_64 : vector<16xi32>
        %gather3A = tpu.vector_load_idx %arg11[%add3A_65] : memref<1565xi32, #tpu.memory_space<vmem>>[vector<16xi32>], vector<16xi32>,
        %add3A_66 = arith.constant 0 : i32
        %add3A_67 = vector.broadcast %add3A_66 : i32 to vector<16xi32>
        %add3A_68 = arith.addi %get3A_30, %add3A_67 : vector<16xi32>
        %gather3A_69 = tpu.vector_load_idx %arg12[%add3A_68] : memref<1565xf32, #tpu.memory_space<vmem>>[vector<16xi32>], vector<16xf32>,
        %gather3A_70 = tpu.vector_load_idx %arg15[%gather3A, %add3A_34] : memref<313x128xf32, #tpu.memory_space<vmem>>[vector<16xi32>, vector<16xi32>], vector<16xf32>,
        %mul3A_71 = arith.mulf %gather3A_69, %gather3A_70 : vector<16xf32>
        %add3A_72 = arith.addf %broadcast_in_dim3A_62, %mul3A_71 : vector<16xf32>
        %add3A_73 = arith.constant 313 : i32
        %add3A_74 = vector.broadcast %add3A_73 : i32 to vector<16xi32>
        %add3A_75 = arith.addi %get3A_30, %add3A_74 : vector<16xi32>
        %gather3A_76 = tpu.vector_load_idx %arg11[%add3A_75] : memref<1565xi32, #tpu.memory_space<vmem>>[vector<16xi32>], vector<16xi32>,
        %add3A_77 = arith.constant 313 : i32
        %add3A_78 = vector.broadcast %add3A_77 : i32 to vector<16xi32>
        %add3A_79 = arith.addi %get3A_30, %add3A_78 : vector<16xi32>
        %gather3A_80 = tpu.vector_load_idx %arg12[%add3A_79] : memref<1565xf32, #tpu.memory_space<vmem>>[vector<16xi32>], vector<16xf32>,
        %gather3A_81 = tpu.vector_load_idx %arg15[%gather3A_76, %add3A_34] : memref<313x128xf32, #tpu.memory_space<vmem>>[vector<16xi32>, vector<16xi32>], vector<16xf32>,
        %mul3A_82 = arith.mulf %gather3A_80, %gather3A_81 : vector<16xf32>
        %add3A_83 = arith.addf %add3A_72, %mul3A_82 : vector<16xf32>
        %add3A_84 = arith.constant 626 : i32
        %add3A_85 = vector.broadcast %add3A_84 : i32 to vector<16xi32>
        %add3A_86 = arith.addi %get3A_30, %add3A_85 : vector<16xi32>
        %gather3A_87 = tpu.vector_load_idx %arg11[%add3A_86] : memref<1565xi32, #tpu.memory_space<vmem>>[vector<16xi32>], vector<16xi32>,
        %add3A_88 = arith.constant 626 : i32
        %add3A_89 = vector.broadcast %add3A_88 : i32 to vector<16xi32>
        %add3A_90 = arith.addi %get3A_30, %add3A_89 : vector<16xi32>
        %gather3A_91 = tpu.vector_load_idx %arg12[%add3A_90] : memref<1565xf32, #tpu.memory_space<vmem>>[vector<16xi32>], vector<16xf32>,
        %gather3A_92 = tpu.vector_load_idx %arg15[%gather3A_87, %add3A_34] : memref<313x128xf32, #tpu.memory_space<vmem>>[vector<16xi32>, vector<16xi32>], vector<16xf32>,
        %mul3A_93 = arith.mulf %gather3A_91, %gather3A_92 : vector<16xf32>
        %add3A_94 = arith.addf %add3A_83, %mul3A_93 : vector<16xf32>
        %add3A_95 = arith.constant 939 : i32
        %add3A_96 = vector.broadcast %add3A_95 : i32 to vector<16xi32>
        %add3A_97 = arith.addi %get3A_30, %add3A_96 : vector<16xi32>
        %gather3A_98 = tpu.vector_load_idx %arg11[%add3A_97] : memref<1565xi32, #tpu.memory_space<vmem>>[vector<16xi32>], vector<16xi32>,
        %add3A_99 = arith.constant 939 : i32
        %add3A_100 = vector.broadcast %add3A_99 : i32 to vector<16xi32>
        %add3A_101 = arith.addi %get3A_30, %add3A_100 : vector<16xi32>
        %gather3A_102 = tpu.vector_load_idx %arg12[%add3A_101] : memref<1565xf32, #tpu.memory_space<vmem>>[vector<16xi32>], vector<16xf32>,
        %gather3A_103 = tpu.vector_load_idx %arg15[%gather3A_98, %add3A_34] : memref<313x128xf32, #tpu.memory_space<vmem>>[vector<16xi32>, vector<16xi32>], vector<16xf32>,
        %mul3A_104 = arith.mulf %gather3A_102, %gather3A_103 : vector<16xf32>
        %add3A_105 = arith.addf %add3A_94, %mul3A_104 : vector<16xf32>
        %add3A_106 = arith.constant 1252 : i32
        %add3A_107 = vector.broadcast %add3A_106 : i32 to vector<16xi32>
        %add3A_108 = arith.addi %get3A_30, %add3A_107 : vector<16xi32>
        %gather3A_109 = tpu.vector_load_idx %arg11[%add3A_108] : memref<1565xi32, #tpu.memory_space<vmem>>[vector<16xi32>], vector<16xi32>,
        %add3A_110 = arith.constant 1252 : i32
        %add3A_111 = vector.broadcast %add3A_110 : i32 to vector<16xi32>
        %add3A_112 = arith.addi %get3A_30, %add3A_111 : vector<16xi32>
        %gather3A_113 = tpu.vector_load_idx %arg12[%add3A_112] : memref<1565xf32, #tpu.memory_space<vmem>>[vector<16xi32>], vector<16xf32>,
        %gather3A_114 = tpu.vector_load_idx %arg15[%gather3A_109, %add3A_34] : memref<313x128xf32, #tpu.memory_space<vmem>>[vector<16xi32>, vector<16xi32>], vector<16xf32>,
        %mul3A_115 = arith.mulf %gather3A_113, %gather3A_114 : vector<16xf32>
        %add3A_116 = arith.addf %add3A_105, %mul3A_115 : vector<16xf32>
        %swap3A = arith.index_cast %add3A_27 : i32 to index
        %swap3A_117 = tpu.vector_load %arg16[%swap3A] {strides = array<i32>} : memref<1024xf32, #tpu.memory_space<vmem>>, vector<16xf32>,
        tpu.vector_store %arg16[%swap3A], %add3A_116 {strides = array<i32>} : memref<1024xf32, #tpu.memory_space<vmem>>, vector<16xf32>,
        %swap3A_118 = arith.index_cast %add3A_27 : i32 to index
        %swap3A_119 = tpu.vector_load %arg17[%swap3A_118] {strides = array<i32>} : memref<1024xf32, #tpu.memory_space<vmem>>, vector<16xf32>,
        tpu.vector_store %arg17[%swap3A_118], %max3A {strides = array<i32>} : memref<1024xf32, #tpu.memory_space<vmem>>, vector<16xf32>,
        %swap3A_120 = arith.index_cast %add3A_27 : i32 to index
        %swap3A_121 = tpu.vector_load %arg18[%swap3A_120] {strides = array<i32>} : memref<1024xf32, #tpu.memory_space<vmem>>, vector<16xf32>,
        tpu.vector_store %arg18[%swap3A_120], %add3A_60 {strides = array<i32>} : memref<1024xf32, #tpu.memory_space<vmem>>, vector<16xf32>,
        %gather3A_122 = tpu.vector_load_idx %arg13[%get3A_30] : memref<313xf32, #tpu.memory_space<vmem>>[vector<16xi32>], vector<16xf32>,
        %swap3A_123 = arith.index_cast %add3A_27 : i32 to index
        %swap3A_124 = tpu.vector_load %arg19[%swap3A_123] {strides = array<i32>} : memref<1024xf32, #tpu.memory_space<vmem>>, vector<16xf32>,
        tpu.vector_store %arg19[%swap3A_123], %gather3A_122 {strides = array<i32>} : memref<1024xf32, #tpu.memory_space<vmem>>, vector<16xf32>,
        %scan3A_125 = arith.constant 0 : i32
        scf.yield %scan3A_125 : i32
      }
      %scan3A_19 = arith.constant 8 : i32
      %scan3A_20 = arith.constant 0 : i32
      scf.yield %scan3A_20 : i32
    }
    %scan3A_6 = arith.constant 8 : i32
    "tpu.region"() ({
      %run_scoped3A = tpu.sem_alloc : memref<!tpu.dma_semaphore, #tpu.memory_space<semaphore_mem>>
      %dma_start3A = arith.constant 0 : i32
      %dma_start3A_7 = tpu.memref_slice %arg7[%add3A, %dma_start3A] : memref<32x1024xf32, #tpu.memory_space<hbm>> -> memref<1x1024xf32, #tpu.memory_space<hbm>>
      %dma_start3A_8 = tpu.memref_squeeze %dma_start3A_7 : memref<1x1024xf32, #tpu.memory_space<hbm>> -> memref<1024xf32, #tpu.memory_space<hbm>>
      %dma_start3A_9 = arith.constant 0 : i32
      %dma_start3A_10 = tpu.memref_slice %arg7[%add3A, %dma_start3A_9] : memref<32x1024xf32, #tpu.memory_space<hbm>> -> memref<1x1024xf32, #tpu.memory_space<hbm>>
      %dma_start3A_11 = tpu.memref_squeeze %dma_start3A_10 : memref<1x1024xf32, #tpu.memory_space<hbm>> -> memref<1024xf32, #tpu.memory_space<hbm>>
      tpu.enqueue_dma source(%arg16 : memref<1024xf32, #tpu.memory_space<vmem>>) target(%dma_start3A_11 : memref<1024xf32, #tpu.memory_space<hbm>>) target_semaphore(%run_scoped3A : memref<!tpu.dma_semaphore, #tpu.memory_space<semaphore_mem>>)
      %dma_wait3A = arith.constant 0 : i32
      %dma_wait3A_12 = tpu.memref_slice %arg7[%add3A, %dma_wait3A] : memref<32x1024xf32, #tpu.memory_space<hbm>> -> memref<1x1024xf32, #tpu.memory_space<hbm>>
      %dma_wait3A_13 = tpu.memref_squeeze %dma_wait3A_12 : memref<1x1024xf32, #tpu.memory_space<hbm>> -> memref<1024xf32, #tpu.memory_space<hbm>>
      %dma_wait3A_14 = arith.constant 0 : i32
      %dma_wait3A_15 = tpu.memref_slice %arg7[%add3A, %dma_wait3A_14] : memref<32x1024xf32, #tpu.memory_space<hbm>> -> memref<1x1024xf32, #tpu.memory_space<hbm>>
      %dma_wait3A_16 = tpu.memref_squeeze %dma_wait3A_15 : memref<1x1024xf32, #tpu.memory_space<hbm>> -> memref<1024xf32, #tpu.memory_space<hbm>>
      tpu.wait_dma2 semaphore(%run_scoped3A : memref<!tpu.dma_semaphore, #tpu.memory_space<semaphore_mem>>) src(%arg16 : memref<1024xf32, #tpu.memory_space<vmem>>) dst(%dma_wait3A_16 : memref<1024xf32, #tpu.memory_space<hbm>>)
      tpu.yield
    }) : () -> ()
    "tpu.region"() ({
      %run_scoped3A = tpu.sem_alloc : memref<!tpu.dma_semaphore, #tpu.memory_space<semaphore_mem>>
      %dma_start3A = arith.constant 0 : i32
      %dma_start3A_7 = tpu.memref_slice %arg8[%add3A, %dma_start3A] : memref<32x1024xf32, #tpu.memory_space<hbm>> -> memref<1x1024xf32, #tpu.memory_space<hbm>>
      %dma_start3A_8 = tpu.memref_squeeze %dma_start3A_7 : memref<1x1024xf32, #tpu.memory_space<hbm>> -> memref<1024xf32, #tpu.memory_space<hbm>>
      %dma_start3A_9 = arith.constant 0 : i32
      %dma_start3A_10 = tpu.memref_slice %arg8[%add3A, %dma_start3A_9] : memref<32x1024xf32, #tpu.memory_space<hbm>> -> memref<1x1024xf32, #tpu.memory_space<hbm>>
      %dma_start3A_11 = tpu.memref_squeeze %dma_start3A_10 : memref<1x1024xf32, #tpu.memory_space<hbm>> -> memref<1024xf32, #tpu.memory_space<hbm>>
      tpu.enqueue_dma source(%arg17 : memref<1024xf32, #tpu.memory_space<vmem>>) target(%dma_start3A_11 : memref<1024xf32, #tpu.memory_space<hbm>>) target_semaphore(%run_scoped3A : memref<!tpu.dma_semaphore, #tpu.memory_space<semaphore_mem>>)
      %dma_wait3A = arith.constant 0 : i32
      %dma_wait3A_12 = tpu.memref_slice %arg8[%add3A, %dma_wait3A] : memref<32x1024xf32, #tpu.memory_space<hbm>> -> memref<1x1024xf32, #tpu.memory_space<hbm>>
      %dma_wait3A_13 = tpu.memref_squeeze %dma_wait3A_12 : memref<1x1024xf32, #tpu.memory_space<hbm>> -> memref<1024xf32, #tpu.memory_space<hbm>>
      %dma_wait3A_14 = arith.constant 0 : i32
      %dma_wait3A_15 = tpu.memref_slice %arg8[%add3A, %dma_wait3A_14] : memref<32x1024xf32, #tpu.memory_space<hbm>> -> memref<1x1024xf32, #tpu.memory_space<hbm>>
      %dma_wait3A_16 = tpu.memref_squeeze %dma_wait3A_15 : memref<1x1024xf32, #tpu.memory_space<hbm>> -> memref<1024xf32, #tpu.memory_space<hbm>>
      tpu.wait_dma2 semaphore(%run_scoped3A : memref<!tpu.dma_semaphore, #tpu.memory_space<semaphore_mem>>) src(%arg17 : memref<1024xf32, #tpu.memory_space<vmem>>) dst(%dma_wait3A_16 : memref<1024xf32, #tpu.memory_space<hbm>>)
      tpu.yield
    }) : () -> ()
    "tpu.region"() ({
      %run_scoped3A = tpu.sem_alloc : memref<!tpu.dma_semaphore, #tpu.memory_space<semaphore_mem>>
      %dma_start3A = arith.constant 0 : i32
      %dma_start3A_7 = tpu.memref_slice %arg9[%add3A, %dma_start3A] : memref<32x1024xf32, #tpu.memory_space<hbm>> -> memref<1x1024xf32, #tpu.memory_space<hbm>>
      %dma_start3A_8 = tpu.memref_squeeze %dma_start3A_7 : memref<1x1024xf32, #tpu.memory_space<hbm>> -> memref<1024xf32, #tpu.memory_space<hbm>>
      %dma_start3A_9 = arith.constant 0 : i32
      %dma_start3A_10 = tpu.memref_slice %arg9[%add3A, %dma_start3A_9] : memref<32x1024xf32, #tpu.memory_space<hbm>> -> memref<1x1024xf32, #tpu.memory_space<hbm>>
      %dma_start3A_11 = tpu.memref_squeeze %dma_start3A_10 : memref<1x1024xf32, #tpu.memory_space<hbm>> -> memref<1024xf32, #tpu.memory_space<hbm>>
      tpu.enqueue_dma source(%arg18 : memref<1024xf32, #tpu.memory_space<vmem>>) target(%dma_start3A_11 : memref<1024xf32, #tpu.memory_space<hbm>>) target_semaphore(%run_scoped3A : memref<!tpu.dma_semaphore, #tpu.memory_space<semaphore_mem>>)
      %dma_wait3A = arith.constant 0 : i32
      %dma_wait3A_12 = tpu.memref_slice %arg9[%add3A, %dma_wait3A] : memref<32x1024xf32, #tpu.memory_space<hbm>> -> memref<1x1024xf32, #tpu.memory_space<hbm>>
      %dma_wait3A_13 = tpu.memref_squeeze %dma_wait3A_12 : memref<1x1024xf32, #tpu.memory_space<hbm>> -> memref<1024xf32, #tpu.memory_space<hbm>>
      %dma_wait3A_14 = arith.constant 0 : i32
      %dma_wait3A_15 = tpu.memref_slice %arg9[%add3A, %dma_wait3A_14] : memref<32x1024xf32, #tpu.memory_space<hbm>> -> memref<1x1024xf32, #tpu.memory_space<hbm>>
      %dma_wait3A_16 = tpu.memref_squeeze %dma_wait3A_15 : memref<1x1024xf32, #tpu.memory_space<hbm>> -> memref<1024xf32, #tpu.memory_space<hbm>>
      tpu.wait_dma2 semaphore(%run_scoped3A : memref<!tpu.dma_semaphore, #tpu.memory_space<semaphore_mem>>) src(%arg18 : memref<1024xf32, #tpu.memory_space<vmem>>) dst(%dma_wait3A_16 : memref<1024xf32, #tpu.memory_space<hbm>>)
      tpu.yield
    }) : () -> ()
    "tpu.region"() ({
      %run_scoped3A = tpu.sem_alloc : memref<!tpu.dma_semaphore, #tpu.memory_space<semaphore_mem>>
      %dma_start3A = arith.constant 0 : i32
      %dma_start3A_7 = tpu.memref_slice %arg10[%add3A, %dma_start3A] : memref<32x1024xf32, #tpu.memory_space<hbm>> -> memref<1x1024xf32, #tpu.memory_space<hbm>>
      %dma_start3A_8 = tpu.memref_squeeze %dma_start3A_7 : memref<1x1024xf32, #tpu.memory_space<hbm>> -> memref<1024xf32, #tpu.memory_space<hbm>>
      %dma_start3A_9 = arith.constant 0 : i32
      %dma_start3A_10 = tpu.memref_slice %arg10[%add3A, %dma_start3A_9] : memref<32x1024xf32, #tpu.memory_space<hbm>> -> memref<1x1024xf32, #tpu.memory_space<hbm>>
      %dma_start3A_11 = tpu.memref_squeeze %dma_start3A_10 : memref<1x1024xf32, #tpu.memory_space<hbm>> -> memref<1024xf32, #tpu.memory_space<hbm>>
      tpu.enqueue_dma source(%arg19 : memref<1024xf32, #tpu.memory_space<vmem>>) target(%dma_start3A_11 : memref<1024xf32, #tpu.memory_space<hbm>>) target_semaphore(%run_scoped3A : memref<!tpu.dma_semaphore, #tpu.memory_space<semaphore_mem>>)
      %dma_wait3A = arith.constant 0 : i32
      %dma_wait3A_12 = tpu.memref_slice %arg10[%add3A, %dma_wait3A] : memref<32x1024xf32, #tpu.memory_space<hbm>> -> memref<1x1024xf32, #tpu.memory_space<hbm>>
      %dma_wait3A_13 = tpu.memref_squeeze %dma_wait3A_12 : memref<1x1024xf32, #tpu.memory_space<hbm>> -> memref<1024xf32, #tpu.memory_space<hbm>>
      %dma_wait3A_14 = arith.constant 0 : i32
      %dma_wait3A_15 = tpu.memref_slice %arg10[%add3A, %dma_wait3A_14] : memref<32x1024xf32, #tpu.memory_space<hbm>> -> memref<1x1024xf32, #tpu.memory_space<hbm>>
      %dma_wait3A_16 = tpu.memref_squeeze %dma_wait3A_15 : memref<1x1024xf32, #tpu.memory_space<hbm>> -> memref<1024xf32, #tpu.memory_space<hbm>>
      tpu.wait_dma2 semaphore(%run_scoped3A : memref<!tpu.dma_semaphore, #tpu.memory_space<semaphore_mem>>) src(%arg19 : memref<1024xf32, #tpu.memory_space<vmem>>) dst(%dma_wait3A_16 : memref<1024xf32, #tpu.memory_space<hbm>>)
      tpu.yield
    }) : () -> ()
    return
  }
}

module attributes {stable_mosaic.version = 14 : i64} {
  func.func @_comb_body(%arg0: memref<32x1024xf32, #tpu.memory_space<vmem>>, %arg1: memref<32x1024xf32, #tpu.memory_space<vmem>>, %arg2: memref<32x1024xf32, #tpu.memory_space<vmem>>, %arg3: memref<32x1024xf32, #tpu.memory_space<vmem>>, %arg4: memref<1x1xf32, #tpu.memory_space<vmem>>) attributes {dimension_semantics = [], scalar_prefetch = 0 : i64, scratch_operands = 0 : i64, tpu.core_type = #tpu.core_type<tc>} {
    %get3A = arith.constant 0 : index
    %get3A_0 = arith.constant 0 : index
    %get3A_1 = vector.load %arg1[%get3A, %get3A_0] : memref<32x1024xf32, #tpu.memory_space<vmem>>, vector<32x1024xf32>
    %get3A_2 = arith.constant 0 : index
    %get3A_3 = arith.constant 0 : index
    %get3A_4 = vector.load %arg2[%get3A_2, %get3A_3] : memref<32x1024xf32, #tpu.memory_space<vmem>>, vector<32x1024xf32>
    %log3A = math.log %get3A_4 : vector<32x1024xf32>
    %add3A = arith.addf %get3A_1, %log3A : vector<32x1024xf32>
    %get3A_5 = arith.constant 0 : index
    %get3A_6 = arith.constant 0 : index
    %get3A_7 = vector.load %arg0[%get3A_5, %get3A_6] : memref<32x1024xf32, #tpu.memory_space<vmem>>, vector<32x1024xf32>
    %reduce_sum3A = vector.shape_cast %get3A_7 : vector<32x1024xf32> to vector<1x32x1024xf32>
    %reduce_sum3A_8 = arith.constant dense<0.000000e+00> : vector<1xf32>
    %reduce_sum3A_9 = vector.multi_reduction <add>, %reduce_sum3A, %reduce_sum3A_8 [1, 2] : vector<1x32x1024xf32> to vector<1xf32>
    %reduce_sum3A_10 = vector.shape_cast %reduce_sum3A_9 : vector<1xf32> to vector<1x1x1xf32>
    %reduce_sum3A_11 = vector.extract %reduce_sum3A_10[0, 0, 0] : f32 from vector<1x1x1xf32>
    %get3A_12 = arith.constant 0 : index
    %get3A_13 = arith.constant 0 : index
    %get3A_14 = vector.load %arg3[%get3A_12, %get3A_13] : memref<32x1024xf32, #tpu.memory_space<vmem>>, vector<32x1024xf32>
    %mul3A = arith.mulf %get3A_14, %add3A : vector<32x1024xf32>
    %reduce_sum3A_15 = vector.shape_cast %mul3A : vector<32x1024xf32> to vector<1x32x1024xf32>
    %reduce_sum3A_16 = arith.constant dense<0.000000e+00> : vector<1xf32>
    %reduce_sum3A_17 = vector.multi_reduction <add>, %reduce_sum3A_15, %reduce_sum3A_16 [1, 2] : vector<1x32x1024xf32> to vector<1xf32>
    %reduce_sum3A_18 = vector.shape_cast %reduce_sum3A_17 : vector<1xf32> to vector<1x1x1xf32>
    %reduce_sum3A_19 = vector.extract %reduce_sum3A_18[0, 0, 0] : f32 from vector<1x1x1xf32>
    %sub3A = arith.subf %reduce_sum3A_11, %reduce_sum3A_19 : f32
    %reshape3A = vector.broadcast %sub3A : f32 to vector<1x1xf32>
    %swap3A = arith.constant 0 : index
    %swap3A_20 = arith.constant 0 : index
    %swap3A_21 = vector.load %arg4[%swap3A, %swap3A_20] : memref<1x1xf32, #tpu.memory_space<vmem>>, vector<1x1xf32>
    tpu.vector_store %arg4[%swap3A, %swap3A_20], %reshape3A {strides = array<i32>} : memref<1x1xf32, #tpu.memory_space<vmem>>, vector<1x1xf32>,
    return
  }
}

module attributes {stable_mosaic.version = 14 : i64} {
  func.func @_tc_body(%arg0: i32, %arg1: memref<16x313xf32, #tpu.memory_space<vmem>>, %arg2: memref<1x313x3072xf32, #tpu.memory_space<vmem>>, %arg3: memref<1x1x3072xi32, #tpu.memory_space<vmem>>, %arg4: memref<1x1xf32, #tpu.memory_space<vmem>>, %arg5: memref<320x313xbf16, #tpu.memory_space<vmem>>) attributes {dimension_semantics = [#tpu.dimension_semantics<arbitrary>], iteration_bounds = array<i64: 32>, scalar_prefetch = 0 : i64, scratch_operands = 1 : i64, tpu.core_type = #tpu.core_type<tc>, window_params = [{pipeline_mode = #tpu.pipeline_mode<synchronous>, transform_indices = @transform_0, window_bounds = array<i64: 16, 313>}, {transform_indices = @transform_1, window_bounds = array<i64: 1, 313, 3072>}, {transform_indices = @transform_2, window_bounds = array<i64: 1, 1, 3072>}, {pipeline_mode = #tpu.pipeline_mode<synchronous>, transform_indices = @transform_3, window_bounds = array<i64: 1, 1>}]} {
    %eq3A = arith.constant 0 : i32
    %eq3A_0 = arith.cmpi eq, %arg0, %eq3A : i32
    %convert_element_type3A = arith.extui %eq3A_0 : i1 to i32
    %cond3A = arith.constant 0 : i32
    %cond3A_1 = arith.cmpi ne, %convert_element_type3A, %cond3A : i32
    scf.if %cond3A_1 {
      %iota3A_51 = tpu.iota {dimensions = array<i32: 0>} : vector<320x313xi32>
      %eq3A_52 = arith.constant 313 : i32
      %eq3A_53 = vector.broadcast %eq3A_52 : i32 to vector<320x313xi32>
      %eq3A_54 = arith.cmpi eq, %iota3A_51, %eq3A_53 : vector<320x313xi32>
      %get3A_55 = arith.constant 10 : index
      %get3A_56 = arith.constant 0 : index
      %get3A_57 = vector.load %arg1[%get3A_55, %get3A_56] : memref<16x313xf32, #tpu.memory_space<vmem>>, vector<1x313xf32>
      %jit3A = arith.constant 0.000000e+00 : f32
      %broadcast_in_dim3A_58 = vector.shape_cast %get3A_57 : vector<1x313xf32> to vector<1x313xf32>
      %broadcast_in_dim3A_59 = vector.broadcast %broadcast_in_dim3A_58 : vector<1x313xf32> to vector<320x313xf32>
      %broadcast_in_dim3A_60 = vector.broadcast %jit3A : f32 to vector<320x313xf32>
      %select_n3A = arith.select %eq3A_54, %broadcast_in_dim3A_59, %broadcast_in_dim3A_60 : vector<320x313xi1>, vector<320x313xf32>
      %eq3A_61 = arith.constant 314 : i32
      %eq3A_62 = vector.broadcast %eq3A_61 : i32 to vector<320x313xi32>
      %eq3A_63 = arith.cmpi eq, %iota3A_51, %eq3A_62 : vector<320x313xi32>
      %get3A_64 = arith.constant 11 : index
      %get3A_65 = arith.constant 0 : index
      %get3A_66 = vector.load %arg1[%get3A_64, %get3A_65] : memref<16x313xf32, #tpu.memory_space<vmem>>, vector<1x313xf32>
      %jit3A_67 = arith.constant 0.000000e+00 : f32
      %broadcast_in_dim3A_68 = vector.shape_cast %get3A_66 : vector<1x313xf32> to vector<1x313xf32>
      %broadcast_in_dim3A_69 = vector.broadcast %broadcast_in_dim3A_68 : vector<1x313xf32> to vector<320x313xf32>
      %broadcast_in_dim3A_70 = vector.broadcast %jit3A_67 : f32 to vector<320x313xf32>
      %select_n3A_71 = arith.select %eq3A_63, %broadcast_in_dim3A_69, %broadcast_in_dim3A_70 : vector<320x313xi1>, vector<320x313xf32>
      %add3A_72 = arith.addf %select_n3A, %select_n3A_71 : vector<320x313xf32>
      %get3A_73 = arith.constant 0 : index
      %get3A_74 = arith.constant 0 : index
      %get3A_75 = vector.load %arg1[%get3A_73, %get3A_74] : memref<16x313xf32, #tpu.memory_space<vmem>>, vector<1x313xf32>
      %convert_element_type3A_76 = arith.fptosi %get3A_75 : vector<1x313xf32> to vector<1x313xi32>
      %eq3A_77 = vector.broadcast %convert_element_type3A_76 : vector<1x313xi32> to vector<320x313xi32>
      %eq3A_78 = arith.cmpi eq, %iota3A_51, %eq3A_77 : vector<320x313xi32>
      %get3A_79 = arith.constant 5 : index
      %get3A_80 = arith.constant 0 : index
      %get3A_81 = vector.load %arg1[%get3A_79, %get3A_80] : memref<16x313xf32, #tpu.memory_space<vmem>>, vector<1x313xf32>
      %jit3A_82 = arith.constant 0.000000e+00 : f32
      %broadcast_in_dim3A_83 = vector.shape_cast %get3A_81 : vector<1x313xf32> to vector<1x313xf32>
      %broadcast_in_dim3A_84 = vector.broadcast %broadcast_in_dim3A_83 : vector<1x313xf32> to vector<320x313xf32>
      %broadcast_in_dim3A_85 = vector.broadcast %jit3A_82 : f32 to vector<320x313xf32>
      %select_n3A_86 = arith.select %eq3A_78, %broadcast_in_dim3A_84, %broadcast_in_dim3A_85 : vector<320x313xi1>, vector<320x313xf32>
      %add3A_87 = arith.addf %add3A_72, %select_n3A_86 : vector<320x313xf32>
      %get3A_88 = arith.constant 1 : index
      %get3A_89 = arith.constant 0 : index
      %get3A_90 = vector.load %arg1[%get3A_88, %get3A_89] : memref<16x313xf32, #tpu.memory_space<vmem>>, vector<1x313xf32>
      %convert_element_type3A_91 = arith.fptosi %get3A_90 : vector<1x313xf32> to vector<1x313xi32>
      %eq3A_92 = vector.broadcast %convert_element_type3A_91 : vector<1x313xi32> to vector<320x313xi32>
      %eq3A_93 = arith.cmpi eq, %iota3A_51, %eq3A_92 : vector<320x313xi32>
      %get3A_94 = arith.constant 6 : index
      %get3A_95 = arith.constant 0 : index
      %get3A_96 = vector.load %arg1[%get3A_94, %get3A_95] : memref<16x313xf32, #tpu.memory_space<vmem>>, vector<1x313xf32>
      %jit3A_97 = arith.constant 0.000000e+00 : f32
      %broadcast_in_dim3A_98 = vector.shape_cast %get3A_96 : vector<1x313xf32> to vector<1x313xf32>
      %broadcast_in_dim3A_99 = vector.broadcast %broadcast_in_dim3A_98 : vector<1x313xf32> to vector<320x313xf32>
      %broadcast_in_dim3A_100 = vector.broadcast %jit3A_97 : f32 to vector<320x313xf32>
      %select_n3A_101 = arith.select %eq3A_93, %broadcast_in_dim3A_99, %broadcast_in_dim3A_100 : vector<320x313xi1>, vector<320x313xf32>
      %add3A_102 = arith.addf %add3A_87, %select_n3A_101 : vector<320x313xf32>
      %get3A_103 = arith.constant 2 : index
      %get3A_104 = arith.constant 0 : index
      %get3A_105 = vector.load %arg1[%get3A_103, %get3A_104] : memref<16x313xf32, #tpu.memory_space<vmem>>, vector<1x313xf32>
      %convert_element_type3A_106 = arith.fptosi %get3A_105 : vector<1x313xf32> to vector<1x313xi32>
      %eq3A_107 = vector.broadcast %convert_element_type3A_106 : vector<1x313xi32> to vector<320x313xi32>
      %eq3A_108 = arith.cmpi eq, %iota3A_51, %eq3A_107 : vector<320x313xi32>
      %get3A_109 = arith.constant 7 : index
      %get3A_110 = arith.constant 0 : index
      %get3A_111 = vector.load %arg1[%get3A_109, %get3A_110] : memref<16x313xf32, #tpu.memory_space<vmem>>, vector<1x313xf32>
      %jit3A_112 = arith.constant 0.000000e+00 : f32
      %broadcast_in_dim3A_113 = vector.shape_cast %get3A_111 : vector<1x313xf32> to vector<1x313xf32>
      %broadcast_in_dim3A_114 = vector.broadcast %broadcast_in_dim3A_113 : vector<1x313xf32> to vector<320x313xf32>
      %broadcast_in_dim3A_115 = vector.broadcast %jit3A_112 : f32 to vector<320x313xf32>
      %select_n3A_116 = arith.select %eq3A_108, %broadcast_in_dim3A_114, %broadcast_in_dim3A_115 : vector<320x313xi1>, vector<320x313xf32>
      %add3A_117 = arith.addf %add3A_102, %select_n3A_116 : vector<320x313xf32>
      %get3A_118 = arith.constant 3 : index
      %get3A_119 = arith.constant 0 : index
      %get3A_120 = vector.load %arg1[%get3A_118, %get3A_119] : memref<16x313xf32, #tpu.memory_space<vmem>>, vector<1x313xf32>
      %convert_element_type3A_121 = arith.fptosi %get3A_120 : vector<1x313xf32> to vector<1x313xi32>
      %eq3A_122 = vector.broadcast %convert_element_type3A_121 : vector<1x313xi32> to vector<320x313xi32>
      %eq3A_123 = arith.cmpi eq, %iota3A_51, %eq3A_122 : vector<320x313xi32>
      %get3A_124 = arith.constant 8 : index
      %get3A_125 = arith.constant 0 : index
      %get3A_126 = vector.load %arg1[%get3A_124, %get3A_125] : memref<16x313xf32, #tpu.memory_space<vmem>>, vector<1x313xf32>
      %jit3A_127 = arith.constant 0.000000e+00 : f32
      %broadcast_in_dim3A_128 = vector.shape_cast %get3A_126 : vector<1x313xf32> to vector<1x313xf32>
      %broadcast_in_dim3A_129 = vector.broadcast %broadcast_in_dim3A_128 : vector<1x313xf32> to vector<320x313xf32>
      %broadcast_in_dim3A_130 = vector.broadcast %jit3A_127 : f32 to vector<320x313xf32>
      %select_n3A_131 = arith.select %eq3A_123, %broadcast_in_dim3A_129, %broadcast_in_dim3A_130 : vector<320x313xi1>, vector<320x313xf32>
      %add3A_132 = arith.addf %add3A_117, %select_n3A_131 : vector<320x313xf32>
      %get3A_133 = arith.constant 4 : index
      %get3A_134 = arith.constant 0 : index
      %get3A_135 = vector.load %arg1[%get3A_133, %get3A_134] : memref<16x313xf32, #tpu.memory_space<vmem>>, vector<1x313xf32>
      %convert_element_type3A_136 = arith.fptosi %get3A_135 : vector<1x313xf32> to vector<1x313xi32>
      %eq3A_137 = vector.broadcast %convert_element_type3A_136 : vector<1x313xi32> to vector<320x313xi32>
      %eq3A_138 = arith.cmpi eq, %iota3A_51, %eq3A_137 : vector<320x313xi32>
      %get3A_139 = arith.constant 9 : index
      %get3A_140 = arith.constant 0 : index
      %get3A_141 = vector.load %arg1[%get3A_139, %get3A_140] : memref<16x313xf32, #tpu.memory_space<vmem>>, vector<1x313xf32>
      %jit3A_142 = arith.constant 0.000000e+00 : f32
      %broadcast_in_dim3A_143 = vector.shape_cast %get3A_141 : vector<1x313xf32> to vector<1x313xf32>
      %broadcast_in_dim3A_144 = vector.broadcast %broadcast_in_dim3A_143 : vector<1x313xf32> to vector<320x313xf32>
      %broadcast_in_dim3A_145 = vector.broadcast %jit3A_142 : f32 to vector<320x313xf32>
      %select_n3A_146 = arith.select %eq3A_138, %broadcast_in_dim3A_144, %broadcast_in_dim3A_145 : vector<320x313xi1>, vector<320x313xf32>
      %add3A_147 = arith.addf %add3A_132, %select_n3A_146 : vector<320x313xf32>
      %convert_element_type3A_148 = arith.truncf %add3A_147 : vector<320x313xf32> to vector<320x313xbf16>
      %swap3A_149 = arith.constant 0 : index
      %swap3A_150 = arith.constant 0 : index
      %swap3A_151 = vector.load %arg5[%swap3A_149, %swap3A_150] : memref<320x313xbf16, #tpu.memory_space<vmem>>, vector<320x313xbf16>
      tpu.vector_store %arg5[%swap3A_149, %swap3A_150], %convert_element_type3A_148 {strides = array<i32>} : memref<320x313xbf16, #tpu.memory_space<vmem>>, vector<320x313xbf16>,
    } else {
    }
    %get3A = arith.constant 0 : index
    %get3A_2 = arith.constant 0 : index
    %get3A_3 = arith.constant 0 : index
    %get3A_4 = vector.load %arg2[%get3A, %get3A_2, %get3A_3] : memref<1x313x3072xf32, #tpu.memory_space<vmem>>, vector<1x313x3072xf32>
    %get3A_5 = vector.shape_cast %get3A_4 : vector<1x313x3072xf32> to vector<313x3072xf32>
    %get3A_6 = arith.constant 0 : index
    %get3A_7 = arith.constant 0 : index
    %get3A_8 = arith.constant 0 : index
    %get3A_9 = vector.load %arg3[%get3A_6, %get3A_7, %get3A_8] : memref<1x1x3072xi32, #tpu.memory_space<vmem>>, vector<1x1x3072xi32>
    %get3A_10 = vector.shape_cast %get3A_9 : vector<1x1x3072xi32> to vector<1x3072xi32>
    %iota3A = tpu.iota {dimensions = array<i32: 0>} : vector<313x3072xi32>
    %eq3A_11 = vector.broadcast %get3A_10 : vector<1x3072xi32> to vector<313x3072xi32>
    %eq3A_12 = arith.cmpi eq, %iota3A, %eq3A_11 : vector<313x3072xi32>
    %convert_element_type3A_13 = arith.extui %eq3A_12 : vector<313x3072xi1> to vector<313x3072xi32>
    %convert_element_type3A_14 = arith.sitofp %convert_element_type3A_13 : vector<313x3072xi32> to vector<313x3072xf32>
    %convert_element_type3A_15 = arith.truncf %convert_element_type3A_14 : vector<313x3072xf32> to vector<313x3072xbf16>
    %get3A_16 = arith.constant 0 : index
    %get3A_17 = arith.constant 0 : index
    %get3A_18 = vector.load %arg5[%get3A_16, %get3A_17] : memref<320x313xbf16, #tpu.memory_space<vmem>>, vector<320x313xbf16>
    %dot_general3A = arith.constant dense<0.000000e+00> : vector<320x3072xf32>
    %dot_general3A_19 = tpu.matmul %get3A_18, %convert_element_type3A_15, %dot_general3A {dimension_numbers = #tpu.dot_dimension_numbers<[1], [0], [0], [1], [0, 0, 1, 1], [], []>, transpose_lhs_hint = false} : vector<320x313xbf16>, vector<313x3072xbf16>, vector<320x3072xf32> -> vector<320x3072xf32>
    %reduce_max3A = arith.constant dense<0xFF800000> : vector<3072xf32>
    %reduce_max3A_20 = vector.multi_reduction <maximumf>, %get3A_5, %reduce_max3A [0] : vector<313x3072xf32> to vector<3072xf32>
    %broadcast_in_dim3A = vector.shape_cast %reduce_max3A_20 : vector<3072xf32> to vector<1x3072xf32>
    %sub3A = vector.broadcast %broadcast_in_dim3A : vector<1x3072xf32> to vector<313x3072xf32>
    %sub3A_21 = arith.subf %get3A_5, %sub3A : vector<313x3072xf32>
    %exp3A = math.exp %sub3A_21 : vector<313x3072xf32>
    %reduce_sum3A = arith.constant dense<0.000000e+00> : vector<3072xf32>
    %reduce_sum3A_22 = vector.multi_reduction <add>, %exp3A, %reduce_sum3A [0] : vector<313x3072xf32> to vector<3072xf32>
    %broadcast_in_dim3A_23 = vector.shape_cast %reduce_sum3A_22 : vector<3072xf32> to vector<1x3072xf32>
    %log3A = math.log %broadcast_in_dim3A_23 : vector<1x3072xf32>
    %add3A = arith.addf %broadcast_in_dim3A, %log3A : vector<1x3072xf32>
    %slice3A = vector.extract_strided_slice %dot_general3A_19 {offsets = [312, 0], sizes = [8, 3072], strides = [1, 1]} : vector<320x3072xf32> to vector<8x3072xf32>
    %reduce_sum3A_24 = arith.constant dense<0.000000e+00> : vector<3072xf32>
    %reduce_sum3A_25 = vector.multi_reduction <add>, %slice3A, %reduce_sum3A_24 [0] : vector<8x3072xf32> to vector<3072xf32>
    %broadcast_in_dim3A_26 = vector.shape_cast %reduce_sum3A_25 : vector<3072xf32> to vector<1x3072xf32>
    %slice3A_27 = vector.extract_strided_slice %dot_general3A_19 {offsets = [312, 0], sizes = [1, 3072], strides = [1, 1]} : vector<320x3072xf32> to vector<1x3072xf32>
    %sub3A_28 = arith.subf %broadcast_in_dim3A_26, %slice3A_27 : vector<1x3072xf32>
    %slice3A_29 = vector.extract_strided_slice %dot_general3A_19 {offsets = [0, 0], sizes = [313, 3072], strides = [1, 1]} : vector<320x3072xf32> to vector<313x3072xf32>
    %mul3A = arith.mulf %slice3A_29, %get3A_5 : vector<313x3072xf32>
    %reduce_sum3A_30 = vector.shape_cast %mul3A : vector<313x3072xf32> to vector<1x313x3072xf32>
    %reduce_sum3A_31 = arith.constant dense<0.000000e+00> : vector<1xf32>
    %reduce_sum3A_32 = vector.multi_reduction <add>, %reduce_sum3A_30, %reduce_sum3A_31 [1, 2] : vector<1x313x3072xf32> to vector<1xf32>
    %reduce_sum3A_33 = vector.shape_cast %reduce_sum3A_32 : vector<1xf32> to vector<1x1x1xf32>
    %reduce_sum3A_34 = vector.extract %reduce_sum3A_33[0, 0, 0] : f32 from vector<1x1x1xf32>
    %mul3A_35 = arith.mulf %sub3A_28, %add3A : vector<1x3072xf32>
    %reduce_sum3A_36 = vector.shape_cast %mul3A_35 : vector<1x3072xf32> to vector<1x1x3072xf32>
    %reduce_sum3A_37 = arith.constant dense<0.000000e+00> : vector<1xf32>
    %reduce_sum3A_38 = vector.multi_reduction <add>, %reduce_sum3A_36, %reduce_sum3A_37 [1, 2] : vector<1x1x3072xf32> to vector<1xf32>
    %reduce_sum3A_39 = vector.shape_cast %reduce_sum3A_38 : vector<1xf32> to vector<1x1x1xf32>
    %reduce_sum3A_40 = vector.extract %reduce_sum3A_39[0, 0, 0] : f32 from vector<1x1x1xf32>
    %sub3A_41 = arith.subf %reduce_sum3A_34, %reduce_sum3A_40 : f32
    %reshape3A = vector.broadcast %sub3A_41 : f32 to vector<1x1xf32>
    %convert_element_type3A_42 = arith.extui %eq3A_0 : i1 to i32
    %cond3A_43 = arith.constant 0 : i32
    %cond3A_44 = arith.cmpi ne, %convert_element_type3A_42, %cond3A_43 : i32
    scf.if %cond3A_44 {
      %broadcast_in_dim3A_51 = arith.constant 0.000000e+00 : f32
      %broadcast_in_dim3A_52 = vector.broadcast %broadcast_in_dim3A_51 : f32 to vector<1x1xf32>
      %swap3A_53 = arith.constant 0 : index
      %swap3A_54 = arith.constant 0 : index
      %swap3A_55 = vector.load %arg4[%swap3A_53, %swap3A_54] : memref<1x1xf32, #tpu.memory_space<vmem>>, vector<1x1xf32>
      tpu.vector_store %arg4[%swap3A_53, %swap3A_54], %broadcast_in_dim3A_52 {strides = array<i32>} : memref<1x1xf32, #tpu.memory_space<vmem>>, vector<1x1xf32>,
    } else {
    }
    %get3A_45 = arith.constant 0 : index
    %get3A_46 = arith.constant 0 : index
    %get3A_47 = vector.load %arg4[%get3A_45, %get3A_46] : memref<1x1xf32, #tpu.memory_space<vmem>>, vector<1x1xf32>
    %add3A_48 = arith.addf %get3A_47, %reshape3A : vector<1x1xf32>
    %swap3A = arith.constant 0 : index
    %swap3A_49 = arith.constant 0 : index
    %swap3A_50 = vector.load %arg4[%swap3A, %swap3A_49] : memref<1x1xf32, #tpu.memory_space<vmem>>, vector<1x1xf32>
    tpu.vector_store %arg4[%swap3A, %swap3A_49], %add3A_48 {strides = array<i32>} : memref<1x1xf32, #tpu.memory_space<vmem>>, vector<1x1xf32>,
    return
  }
  func.func @transform_0(%arg0: i32) -> (i32, i32) {
    %c0_i32 = arith.constant 0 : i32
    %c0_i32_0 = arith.constant 0 : i32
    %c0_i32_1 = arith.constant 0 : i32
    return %c0_i32, %c0_i32_0 : i32, i32
  }
  func.func @transform_1(%arg0: i32) -> (i32, i32, i32) {
    %c0_i32 = arith.constant 0 : i32
    %c0_i32_0 = arith.constant 0 : i32
    %c0_i32_1 = arith.constant 0 : i32
    return %arg0, %c0_i32, %c0_i32_0 : i32, i32, i32
  }
  func.func @transform_2(%arg0: i32) -> (i32, i32, i32) {
    %c0_i32 = arith.constant 0 : i32
    %c0_i32_0 = arith.constant 0 : i32
    %c0_i32_1 = arith.constant 0 : i32
    return %arg0, %c0_i32, %c0_i32_0 : i32, i32, i32
  }
  func.func @transform_3(%arg0: i32) -> (i32, i32) {
    %c0_i32 = arith.constant 0 : i32
    %c0_i32_0 = arith.constant 0 : i32
    %c0_i32_1 = arith.constant 0 : i32
    return %c0_i32, %c0_i32_0 : i32, i32
  }
}

</mosaic_0001>

<sc_bundles>
// kernel: kernel.5.cloned.1.call-start
scs
__scs_entry_jumppad:
0x0: {  	(pc) =	sbr.rel $0x88, $3  }
0x1: {  	(tag) =	ssettag $0x0;
	lr =	simm.s32 $0x1  }
0x2: {  	[smem:$0x3F9C] =	sst lr;
	_ =	strace $0xD0000000  }
0x3: {  	_ = 	snop  }
0x4: {  	_ = 	snop  }
0x5: {  	_ = 	snop  }
0x6: {  	_ = 	snop  }
0x7: {  	_ = 	snop  }
__scs_overlays_trampoline_lowered:
0x8: {  	[smem:$0x3FAB] =	sst s0  }
0x9: {  	[smem:$0x3FAC] =	sst s1  }
0xa: {  	[smem:$0x3FAD] =	sst s2  }
0xb: {  	[smem:$0x3FAE] =	sst s3  }
0xc: {  	[smem:$0x3FAF] =	sst s4  }
0xd: {  	[smem:$0x3FB0] =	sst s5  }
0xe: {  	[smem:$0x3FB1] =	sst s6  }
0xf: {  	[smem:$0x3FB2] =	sst s7  }
0x10: {  	[smem:$0x3FB3] =	sst s8  }
0x11: {  	[smem:$0x3FB4] =	sst s9;
	s0 =	simm.s32 @!p0 $0x0  }
0x12: {  	s1 =	sld [smem:$0x3F9A];
	s0 =	simm.s32 @p0 $0x1  }
0x13: {  	[smem:$0x3FB5] =	sst s0;
	s0 =	simm.s32 @!p1 $0x0  }
0x14: {  	s2 =	sld [smem:$0x3F99];
	s0 =	simm.s32 @p1 $0x1  }
0x15: {  	[smem:$0x3FB6] =	sst s0;
	s0 =	simm.s32 @!p2 $0x0  }
0x16: {  	s3 =	sld [smem:$0x3FDB];
	s0 =	simm.s32 @p2 $0x1  }
0x17: {  	s4 =	simm.s32 $0x1BF5;
	[smem:$0x3FB8] =	sst s0  }
0x18: {  	s0 =	sld [smem:$0x3F9B];
	_ =	swait.ge [sflag:s4], $0x0  }
0x19: {  	s7 =	sld [smem:$0x3F9C]  }
0x1a: {  	s8 =	sadd.s32 $0xFFFFE003, lr  }
0x1b: {  	s9 =	sadd.s32 $0xFFFFFEF7, lr;
	s5 =	simm.s32 $0xFFFFFFFF;
	p2 =	slt.u32 s8, $0xFFFFF086  }
0x1c: {  	p1 =	slt.u32 s9, $0xF7A;
	s5 =	simm.s32 @!p2 $0x0  }
0x1d: {  	s5 =	simm.s32 @p1 $0x1;
	p0 =	seq.s32 s7, s2  }
0x1e: {  	s7 =	smul.u32 @!p0 $0xF7A, s2;
	p2 =	seq.s32 @!p0 s5, $0x0  }
0x1f: {  	s9 =	smul.u32 $0xF7A, s1;
	s8 =	simm.s32 @!p0 $0x1BF5;
	p2 =	por !p2, p0  }
0x20: {  	[sflag:s8] =	ssyncset.s32 @!p0 $0xFFFFF086;
	s6 =	sadd.s32 @!p0 s3, s7;
	s7 =	simm.s32 @!p0 $0x108  }
0x21: {  	s3 =	sadd.s32 s3, s9;
	s6 =	sadd.s32 @!p0 $0x88, s6;
	s7 =	simm.s32 @p2 $0x1082  }
0x22: {  	[simem:s7], [sflag:s8] =	dma.local @!p0 [hbm:s6], $0xF7A  }
0x23: {  	s9 =	sor.u32 $0xD0000000, s2;
	s6 =	simm.s32 $0x108;
	_ =	swait.ge @!p0 [sflag:s8], $0x0  }
0x24: {  	s3 =	sadd.s32 $0x88, s3;
	s6 =	simm.s32 @!p1 $0x1082;
	[sflag:s4] =	ssyncset.s32 $0xFFFFF086  }
0x25: {  	[simem:s6], [sflag:s4] =	dma.local [hbm:s3], $0xF7A  }
0x26: {  	[smem:$0x3F9C] =	sst s1;
	(tag) =	ssettag s2;
	_ =	strace s9  }
0x27: {  	s1 =	sld [smem:$0x3FAC]  }
0x28: {  	s2 =	sld [smem:$0x3FAD]  }
0x29: {  	s4 =	sld [smem:$0x3FAF]  }
0x2a: {  	p0 =	seq.s32 s5, $0x0;
	s5 =	sld [smem:$0x3FB0]  }
0x2b: {  	s6 =	sld [smem:$0x3FB1]  }
0x2c: {  	s7 =	sld [smem:$0x3FB2]  }
0x2d: {  	s3 =	simm.s32 $0x108;
	s8 =	sld [smem:$0x3FB3]  }
0x2e: {  	s3 =	simm.s32 @!p0 $0x1082;
	s9 =	sld [smem:$0x3FB4]  }
0x2f: {  	lr =	sadd.s32 s0, s3;
	s0 =	sld [smem:$0x3FAB]  }
0x30: {  	s3 =	sld [smem:$0x3FAE]  }
0x31: {  	[smem:$0x3FB7] =	sst s10  }
0x32: {  	s10 =	sld [smem:$0x3FB5];
	_ =	sdelay $0x3  }
0x33: {  	p0 =	seq.s32 s10, $0x1;
	s10 =	sld [smem:$0x3FB7];
	_ =	sdelay $0x3  }
0x34: {  	[smem:$0x3FB7] =	sst s10  }
0x35: {  	s10 =	sld [smem:$0x3FB6];
	_ =	sdelay $0x3  }
0x36: {  	p1 =	seq.s32 s10, $0x1;
	s10 =	sld [smem:$0x3FB7];
	_ =	sdelay $0x3  }
0x37: {  	[smem:$0x3FB7] =	sst s10  }
0x38: {  	s10 =	sld [smem:$0x3FB8]  }
0x39: {  	_ = 	snop;
	(pc) =	sbr.ind lr, $3  }
0x3a: {  	_ = 	snop  }
0x3b: {  	_ = 	snop  }
0x3c: {  	p2 =	seq.s32 s10, $0x1;
	s10 =	sld [smem:$0x3FB7]  }
0x3d: {  	_ =	shalt  }
0x3e: {  	_ =	shalt  }
0x3f: {  	_ =	shalt  }
0x40: {  	_ =	shalt  }
0x41: {  	_ =	shalt  }
0x42: {  	_ =	shalt  }
0x43: {  	_ =	shalt  }
0x44: {  	_ =	shalt  }
0x45: {  	_ =	shalt  }
0x46: {  	_ =	shalt  }
0x47: {  	_ =	shalt  }
0x48: {  	_ =	shalt  }
0x49: {  	_ =	shalt  }
0x4a: {  	_ =	shalt  }
0x4b: {  	_ =	shalt  }
0x4c: {  	_ =	shalt  }
0x4d: {  	_ =	shalt  }
0x4e: {  	_ =	shalt  }
0x4f: {  	_ =	shalt  }
0x50: {  	_ =	shalt  }
0x51: {  	_ =	shalt  }
0x52: {  	_ =	shalt  }
0x53: {  	_ =	shalt  }
0x54: {  	_ =	shalt  }
0x55: {  	_ =	shalt  }
0x56: {  	_ =	shalt  }
0x57: {  	_ =	shalt  }
0x58: {  	_ =	shalt  }
0x59: {  	_ =	shalt  }
0x5a: {  	_ =	shalt  }
0x5b: {  	_ =	shalt  }
0x5c: {  	_ =	shalt  }
0x5d: {  	_ =	shalt  }
0x5e: {  	_ =	shalt  }
0x5f: {  	_ =	shalt  }
0x60: {  	_ =	shalt  }
0x61: {  	_ =	shalt  }
0x62: {  	_ =	shalt  }
0x63: {  	_ =	shalt  }
0x64: {  	_ =	shalt  }
0x65: {  	_ =	shalt  }
0x66: {  	_ =	shalt  }
0x67: {  	_ =	shalt  }
0x68: {  	_ =	shalt  }
0x69: {  	_ =	shalt  }
0x6a: {  	_ =	shalt  }
0x6b: {  	_ =	shalt  }
0x6c: {  	_ =	shalt  }
0x6d: {  	_ =	shalt  }
0x6e: {  	_ =	shalt  }
0x6f: {  	_ =	shalt  }
0x70: {  	_ =	shalt  }
0x71: {  	_ =	shalt  }
0x72: {  	_ =	shalt  }
0x73: {  	_ =	shalt  }
0x74: {  	_ =	shalt  }
0x75: {  	_ =	shalt  }
0x76: {  	_ =	shalt  }
0x77: {  	_ =	shalt  }
0x78: {  	_ =	shalt  }
0x79: {  	_ =	shalt  }
0x7a: {  	_ =	shalt  }
0x7b: {  	_ =	shalt  }
0x7c: {  	_ =	shalt  }
0x7d: {  	_ =	shalt  }
0x7e: {  	_ =	shalt  }
0x7f: {  	_ =	shalt  }
0x80: {  	_ =	shalt  }
0x81: {  	_ =	shalt  }
0x82: {  	_ =	shalt  }
0x83: {  	_ =	shalt  }
0x84: {  	_ =	shalt  }
0x85: {  	_ =	shalt  }
0x86: {  	_ =	shalt  }
0x87: {  	_ =	shalt  }
.Lfunc_end0:
.L_simem_size_0:
called_computation_lowered:
.L_overlay_start_0:
0x88: {  	s2 =	sld [smem:$0x3FD9]  }
0x89: {  	s3 =	sld [smem:$0x3FFE];
	_ =	sdelay $0x1  }
0x8a: {  	s1 =	srdreg.scid  }
0x8b: {  	s0 =	sand.u32 $0x1, s1  }
0x8c: {  	s16 =	sshll.u32 s0, $0xA;
	s2 =	sadd.s32 s3, s2  }
0x8d: {  	s2 =	sadd.s32 s2, s16  }
0x8e: {  	[smem:$0x3FC3] =	sst s2  }
0x8f: {  	_ = 	snop  }
0x90: {  	(tm) =	ssettm $0x1  }
0x91: {  	s17 =	sld [smem:$0x3FFB];
	_ =	sdelay $0x3  }
0x92: {  	_ =	strace s17  }
0x93: {  	s2 =	sld [smem:$0x3FFC];
	_ =	sdelay $0x3  }
0x94: {  	_ =	strace s2  }
0x95: {  	s2 =	sld [smem:$0x3FFD];
	_ =	sdelay $0x3  }
0x96: {  	_ =	strace s2  }
0x97: {  	_ =	strace $0x8FFFFFFF  }
0x98: {  	s18 =	sld [smem:$0x3FDB];
	_ =	sdelay $0x1  }
0x99: {  	s19 =	simm.s32 $_scs_section_size  }
0x9a: {  	s4 =	simm.s32 $_size__tile_overlayer_lowered;
	s5 =	simm.s32 $_tile_overlayer_lowered  }
0x9b: {  	s22 =	simm.s32 $0x1BFF;
	s21 =	sshll.u32 s5, $0x1;
	s2 =	sadd.s32 s19, s18  }
0x9c: {  	s6 =	simm.s32 $0x0;
	s20 =	sshll.u32 s4, $0x1;
	s4 =	sadd.s32 s21, s2  }
0x9d: {  	[timem:s6], [sflag:s22] =	dma.local [hbm:s4], s20  }
0x9e: {  	_ =	swait.ge [sflag:s22], s20  }
0x9f: {  	s3 =	ssub.s32 $0x0, s20;
	[sflag:s22] =	ssyncset.done $0x0  }
0xa0: {  	[sflag:s22] =	ssyncadd.s32 s3;
	_ =	sdelay $0x1  }
0xa1: {  	s23 =	simm.s32 $0x1B8B  }
0xa2: {  	_ =	swait.ge [sflag:s23], $0x1  }
0xa3: {  	[sflag:s23] =	ssyncset.done $0x0  }
0xa4: {  	s25 =	simm.s32 $0x1B8E;
	s24 =	sld [smem:$0x3FFE];
	[sflag:s23] =	ssyncadd.s32 $0xFFFFFFFF  }
0xa5: {  	s26 =	simm.s32 $execute0_lowered;
	[smem:$0x3FD2] =	sst s25  }
0xa6: {  	s4 =	sshll.u32 s26, $0x1;
	_ =	strace $0x80000046;
	[dreg:$0x1] =	wrdreg $0xFFFFFFFF  }
0xa7: {  	s28 =	simm.s32 $_size_execute0_lowered;
	s2 =	sadd.s32 s2, s4;
	[dreg:$0x0] =	wrdreg $0x0  }
0xa8: {  	s4 =	sshll.u32 s28, $0x1;
	[dreg:$0x2] =	wrdreg s2  }
0xa9: {  	[dreg:$0x3] =	wrdreg s4  }
0xaa: {  	[dreg:$0x4] =	wrdreg $0xC0  }
0xab: {  	_ =	task [dreg:s6], $0x5FFFF  }
0xac: {  	[dreg:$0x1] =	wrdreg $0xFFFFFFFF  }
0xad: {  	[dreg:$0x0] =	wrdreg $0x60  }
0xae: {  	[dreg:$0x2] =	wrdreg s24  }
0xaf: {  	[dreg:$0x3] =	wrdreg $0x9  }
0xb0: {  	_ =	task.clear_ibuf [dreg:s6], $0x4FFFF;
	_ =	strace $0x90000046  }
0xb1: {  	s29 =	simm.s32 $0x9;
	_ =	strace $0x80000048  }
0xb2: {  	_ =	swait.ge [sflag:s29], $0x1  }
0xb3: {  	[sflag:s29] =	ssyncadd.s32 $0xFFFFFFFF  }
0xb4: {  	_ =	strace $0x90000048  }
0xb5: {  	_ =	sfence  }
0xb6: {  	s30 =	sld [smem:$0x0];
	_ =	sdelay $0x2  }
0xb7: {  	s31 =	sshll.u32 s1, $0xD;
	s1 =	sshrl.u32 s1, $0x2  }
0xb8: {  	s3 =	sand.u32 $0x4000, s31;
	s1 =	sadd.s32 s1, s30  }
0xb9: {  	s0 =	sor.u32 s3, s0;
	s1 =	sshll.u32 s1, $0x11  }
0xba: {  	s0 =	sor.u32 s1, s0  }
0xbb: {  	s0 =	sadd.s32 $0x8F2B, s0  }
0xbc: {  	[sflag:s0] =	ssyncadd.remote.s32 $0x1  }
0xbd: {  	_ =	sfence.sel $0xFFFF  }
0xbe: {  	[dreg:$0x0] =	wrdreg $0xFFFFFFFF;
	(pc) =	sbr.abs _section_cstart, $3  }
0xbf: {  	[dreg:$0x1] =	wrdreg $0xFFFFFFFF  }
0xc0: {  	_ =	task.clear_ibuf [dreg:s6], $0x2FFFF;
	_ =	strace $0x9FFFFFFF  }
0xc1: {  	(tm) =	ssettm $0x7FFFFFFF  }
tec
execute0_lowered:
.L_overlay_start_1:
0x0: {  	(tag) =	ssettag $0x1  }
0x1: {  	s0 =	srdreg.scid;
	s2 =	stileid.u32  }
0x2: {  	s7 =	rddreg [dreg:$0x0];
	s14 =	simm.s32 $0x1;
	s15 =	simm.s32 $0x680  }
0x3: {  	s16 =	simm.s32 $0xD00;
	s17 =	simm.s32 $0x80;
	s18 =	simm.s32 $0x400  }
0x4: {  	s20 =	simm.s32 $0x8000;
	s21 =	simm.s32 $0x1E80;
	s22 =	simm.s32 $0xBA80  }
0x5: {  	s25 =	simm.s32 $0xC680;
	s26 =	simm.s32 $0xCA80;
	s28 =	simm.s32 $0x0  }
0x6: {  	s24 =	simm.s32 $0x0;
	s0 =	sand.u32 $0x1, s0;
	s1 =	sshll.u32 s2, $0x1  }
0x7: {  	s5 =	sshrl.u32 s2, $0x2;
	s2 =	simm.s32 $0x0;
	s1 =	sor.u32 s0, s1  }
0x8: {  	s31 =	sshll.u32 s5, $0xF;
	[smem:$0x7FF] =	sst s2;
	s9 =	sshll.u32 s5, $0xD  }
0x9: {  	s5 =	sadd.s32 $0x505E00, s7;
	s0 =	ssub.s32 $0x2, s0;
	s3 =	sshll.u32 s1, $0x7  }
0xa: {  	_ =	strace $0x80000047;
	s10 =	sshrl.u32 s0, $0x1;
	s1 =	smul.u32 $0x140000, s1  }
0xb: {  	s6 =	sand.u32 $0x380, s3;
	s3 =	sadd.s32 $0x1C00, s7;
	s0 =	ssub.s32 s0, s10  }
0xc: {  	s4 =	sor.u32 s31, s6;
	s6 =	sor.u32 s9, s6;
	s13 =	smax.u32 s0, $0x1  }
0xd: {  	s4 =	sshrl.u32 s4, $0x3;
	s9 =	sshrl.u32 s6, $0x3;
	s6 =	sadd.s32 $0x1A00, s7  }
0xe: {  	s8 =	sadd.s32 s4, s7;
	s4 =	sadd.s32 $0x505C00, s7;
	s12 =	sadd.s32 s9, s7  }
0xf: {  	s7 =	sadd.s32 $0x501C00, s8;
	s8 =	sor.u32 $0x6000, s1;
	s9 =	sadd.s32 $0x506000, s12  }
0x10: {  	v0 =	vlaneseq.u32;
	s10 =	sadd.s32 $0x507000, s12;
	s11 =	sadd.s32 $0x508000, s12;
	s12 =	sadd.s32 $0x509000, s12  }
.LBB2_1:
0x11: {  	[tilespmem:s2], [sflag:$0x1] =	stream.linear.gather [hbm4b:s4+s2], $0x680, $0x38;
	[tilespmem:$0xCE80] =	vst v63  }
0x12: {  	_ =	swait.ge [sflag:s14], $0x680  }
0x13: {  	[sflag:s14] =	ssyncset.done $0x0  }
0x14: {  	[sflag:s14] =	ssyncadd.s32 $0xFFFFF980  }
0x15: {  	[tilespmem:s15], [sflag:$0x1] =	stream.linear.gather [hbm4b:s5+s2], $0x680, $0x38;
	[tilespmem:$0xCE80] =	vst v63  }
0x16: {  	_ =	swait.ge [sflag:s14], $0x680  }
0x17: {  	[sflag:s14] =	ssyncset.done $0x0  }
0x18: {  	[sflag:s14] =	ssyncadd.s32 $0xFFFFF980  }
0x19: {  	[tilespmem:s16], [sflag:$0x1] =	stream.linear.gather [hbm4b:s6+s2], $0x180, $0x38;
	[tilespmem:$0xCE80] =	vst v63  }
0x1a: {  	_ =	swait.ge [sflag:s14], $0x180  }
0x1b: {  	[sflag:s14] =	ssyncset.done $0x0  }
0x1c: {  	s0 =	simm.s32 $0xE80;
	[sflag:s14] =	ssyncadd.s32 $0xFFFFFE80  }
0x1d: {  	[tilespmem:s0], [sflag:$0x1] =	stream.strided.gather [hbm4b:s7+s17], $0x1000, s18, s17, $0x38;
	[tilespmem:$0xCE80] =	vst v63  }
0x1e: {  	_ =	swait.ge [sflag:s14], $0x1000  }
0x1f: {  	[sflag:s14] =	ssyncset.done $0x0  }
0x20: {  	s29 =	simm.s32 $0x0;
	[sflag:s14] =	ssyncadd.s32 $0xFFFFF000  }
.LBB2_2:
0x21: {  	s0 =	sshll.u32 s29, $0xA  }
0x22: {  	s0 =	sadd.s32 s8, s0  }
0x23: {  	s0 =	sshrl.u32 s0, $0x3  }
0x24: {  	s0 =	sadd.s32 s3, s0  }
0x25: {  	[tilespmem:s21], [sflag:$0x1] =	stream.strided.gather [hbm4b:s0+s18], $0x9C00, s20, s18, $0x38;
	[tilespmem:$0xCE80] =	vst v63  }
0x26: {  	s30 =	simm.s32 $0x0;
	s0 =	sadd.s32 $0x27000, s0  }
0x27: {  	[tilespmem:s22], [sflag:$0x1] =	stream.linear.gather [hbm4b:s0+s30], $0x80, $0x38;
	[tilespmem:$0xCE80] =	vst v63  }
0x28: {  	s31 =	sshll.u32 s29, $0x7;
	_ =	swait.ge [sflag:s14], $0x9C80  }
0x29: {  	s23 =	sadd.s32 $0x1A80, s31;
	[sflag:s14] =	ssyncset.done $0x0  }
0x2a: {  	s1 =	simm.s32 $0x2080;
	v1 =	vmov s23;
	[sflag:s14] =	ssyncadd.s32 $0xFFFF6380  }
.LBB2_3:
0x2b: {  	v4 =	vmov s1;
	_ =	sdelay $0x2  }
0x2c: {  	s0 =	sshll.u32 s30, $0x4  }
0x2d: {  	v2 =	vld.idx.msk [tilespmem:v1+s0+$0x0 ss:$0x1], $0xffff  }
0x2e: {  	v7 =	vld.idx.msk [tilespmem:v4+s24+$0xFFFFFE00 ss:$0x1], $0xffff  }
0x2f: {  	v9 =	vld.idx.msk [tilespmem:v4+s24+$0xFFFFFE80 ss:$0x1], $0xffff  }
0x30: {  	v8 =	vld.idx.msk [tilespmem:v4+s24+$0xFFFFFF00 ss:$0x1], $0xffff  }
0x31: {  	v6 =	vld.idx.msk [tilespmem:v4+s24+$0xFFFFFF80 ss:$0x1], $0xffff  }
0x32: {  	v3 =	vld.idx.msk [tilespmem:v4+s24+$0x0 ss:$0x1], $0xffff  }
0x33: {  	v10 =	vimm.f32 $-3.000000010e+38;
	v5 =	vld.idx.msk [tilespmem:v4+s24+$0x80 ss:$0x1], $0xffff  }
0x34: {  	v10 =	vmax.f32 v10, v7;
	v7 =	vld.idx.msk [tilespmem:v4+s24+$0x100 ss:$0x1], $0xffff  }
0x35: {  	s19 =	simm.s32 $0x400;
	s23 =	simm.s32 $0x2000;
	v10 =	vmax.f32 v10, v9;
	v9 =	vld.idx.msk [tilespmem:v4+s24+$0x180 ss:$0x1], $0xffff  }
.LBB2_4:
0x36: {  	p0 =	sne.s32 s23, $0x26000;
	v11 =	vld.idx.msk [tilespmem:v4+s19+$0xFFFFFE00 ss:$0x1], $0xffff;
	v8 =	vmax.f32 v10, v8  }
0x37: {  	v10 =	vld.idx.msk [tilespmem:v4+s19+$0xFFFFFE80 ss:$0x1], $0xffff;
	v6 =	vmax.f32 v8, v6  }
0x38: {  	v8 =	vld.idx.msk [tilespmem:v4+s19+$0xFFFFFF00 ss:$0x1], $0xffff;
	v3 =	vmax.f32 v6, v3  }
.Ltmp0:
0x39: {  	v6 =	vld.idx.msk [tilespmem:v4+s19+$0xFFFFFF80 ss:$0x1], $0xffff;
	v5 =	vmax.f32 v3, v5;
	(pc) =	sbr.rel @p0 .LBB2_4-.Ltmp0, $4  }
0x3a: {  	v3 =	vld.idx.msk [tilespmem:v4+s19+$0x0 ss:$0x1], $0xffff;
	v7 =	vmax.f32 v5, v7  }
0x3b: {  	v5 =	vld.idx.msk [tilespmem:v4+s19+$0x80 ss:$0x1], $0xffff;
	v7 =	vmax.f32 v7, v9  }
0x3c: {  	v9 =	vmax.f32 v7, v11;
	v7 =	vld.idx.msk [tilespmem:v4+s19+$0x100 ss:$0x1], $0xffff  }
0x3d: {  	v10 =	vmax.f32 v9, v10;
	v9 =	vld.idx.msk [tilespmem:v4+s19+$0x180 ss:$0x1], $0xffff;
	s19 =	sshra.s32 s23, $0x2;
	s23 =	sadd.s32 $0x1000, s23  }
0x3e: {  	_ =	sdelay $0x2  }
0x3f: {  	v8 =	vmax.f32 v10, v8  }
0x40: {  	v10 =	vld.idx.msk [tilespmem:v4+s19+$0xFFFFFE00 ss:$0x1], $0xffff;
	v6 =	vmax.f32 v8, v6  }
0x41: {  	v8 =	vld.idx.msk [tilespmem:v4+s19+$0xFFFFFE80 ss:$0x1], $0xffff;
	v3 =	vmax.f32 v6, v3  }
0x42: {  	v6 =	vld.idx.msk [tilespmem:v4+s19+$0xFFFFFF00 ss:$0x1], $0xffff;
	v3 =	vmax.f32 v3, v5  }
0x43: {  	v5 =	vld.idx.msk [tilespmem:v4+s19+$0xFFFFFF80 ss:$0x1], $0xffff;
	v3 =	vmax.f32 v3, v7  }
0x44: {  	v7 =	vld.idx.msk [tilespmem:v4+s19+$0x0 ss:$0x1], $0xffff;
	v3 =	vmax.f32 v3, v9  }
0x45: {  	v9 =	vld.idx.msk [tilespmem:v4+s19+$0x80 ss:$0x1], $0xffff;
	v3 =	vmax.f32 v3, v10  }
0x46: {  	v10 =	vld.idx.msk [tilespmem:v4+s19+$0x100 ss:$0x1], $0xffff;
	v3 =	vmax.f32 v3, v8  }
0x47: {  	v8 =	vld.idx.msk [tilespmem:v4+s19+$0x180 ss:$0x1], $0xffff;
	v3 =	vmax.f32 v3, v6  }
0x48: {  	s23 =	simm.s32 $0x0;
	v3 =	vmax.f32 v3, v5;
	v5 =	vld [tilespmem:s0+$0xBA80]  }
0x49: {  	v6 =	vld.idx.msk [tilespmem:v4+s23+$0xFFFFFE00 ss:$0x1], $0xffff;
	v3 =	vmax.f32 v3, v7  }
0x4a: {  	v3 =	vmax.f32 v3, v9  }
0x4b: {  	v7 =	vld.idx.msk [tilespmem:v4+s23+$0xFFFFFE80 ss:$0x1], $0xffff;
	v3 =	vmax.f32 v3, v10  }
0x4c: {  	v3 =	vmax.f32 v3, v8  }
0x4d: {  	v8 =	vld.idx.msk [tilespmem:v4+s23+$0xFFFFFF00 ss:$0x1], $0xffff;
	v3 =	vmax.f32 v3, v5  }
0x4e: {  	v6 =	vsub.f32 v6, v3  }
0x4f: {  	v9 =	vld.idx.msk [tilespmem:v4+s23+$0xFFFFFF80 ss:$0x1], $0xffff  }
0x50: {  	v7 =	vsub.f32 v7, v3;
	v6 =	vmul.f32 $1.442695020e+00, v6;
	_ =	sdelay $0x1  }
0x51: {  	v10 =	vld.idx.msk [tilespmem:v4+s23+$0x0 ss:$0x1], $0xffff;
	v7 =	vmul.f32 $1.442695020e+00, v7;
	v8 =	vsub.f32 v8, v3;
	(erf) = vpow2.f32 v6;
	_ =	sdelay $0x1  }
0x52: {  	v9 =	vsub.f32 v9, v3;
	v8 =	vmul.f32 $1.442695020e+00, v8;
	(erf) = vpow2.f32 v7  }
0x53: {  	v6 =	vld.idx.msk [tilespmem:v4+s23+$0x80 ss:$0x1], $0xffff  }
0x54: {  	v11 =	vld.idx.msk [tilespmem:v4+s23+$0x100 ss:$0x1], $0xffff;
	v9 =	vmul.f32 $1.442695020e+00, v9;
	(erf) = vpow2.f32 v8  }
0x55: {  	v7 =	vsub.f32 v10, v3  }
0x56: {  	(erf) = vpow2.f32 v9  }
0x57: {  	v7 =	vmul.f32 $1.442695020e+00, v7;
	v9 =	vld.idx.msk [tilespmem:v4+s23+$0x180 ss:$0x1], $0xffff  }
0x58: {  	s23 =	simm.s32 $0x400;
	v6 =	vsub.f32 v6, v3  }
0x59: {  	v8 =	vsub.f32 v11, v3;
	(erf) = vpow2.f32 v7;
	v7 =	vimm.f32 $0.0e+00;
	v10 =	vld.idx.msk [tilespmem:v4+s23+$0xFFFFFE00 ss:$0x1], $0xffff;
	v11 =	vpop (erf)  }
0x5a: {  	v12 =	vld.idx.msk [tilespmem:v4+s23+$0xFFFFFE80 ss:$0x1], $0xffff;
	v6 =	vmul.f32 $1.442695020e+00, v6;
	v7 =	vadd.f32 v11, v7  }
0x5b: {  	v8 =	vmul.f32 $1.442695020e+00, v8;
	v11 =	vpop (erf)  }
0x5c: {  	(erf) = vpow2.f32 v6;
	v9 =	vsub.f32 v9, v3;
	v7 =	vadd.f32 v11, v7  }
0x5d: {  	v6 =	vld.idx.msk [tilespmem:v4+s23+$0xFFFFFF00 ss:$0x1], $0xffff;
	(erf) = vpow2.f32 v8;
	v11 =	vpop (erf)  }
0x5e: {  	v8 =	vld.idx.msk [tilespmem:v4+s23+$0xFFFFFF80 ss:$0x1], $0xffff;
	v10 =	vsub.f32 v10, v3;
	v9 =	vmul.f32 $1.442695020e+00, v9;
	v7 =	vadd.f32 v11, v7  }
0x5f: {  	v11 =	vsub.f32 v12, v3;
	v12 =	vpop (erf)  }
0x60: {  	(erf) = vpow2.f32 v9;
	v12 =	vadd.f32 v12, v7;
	v7 =	vmul.f32 $1.442695020e+00, v10  }
0x61: {  	v13 =	vld.idx.msk [tilespmem:v4+s23+$0x0 ss:$0x1], $0xffff  }
0x62: {  	v14 =	vld.idx.msk [tilespmem:v4+s23+$0x80 ss:$0x1], $0xffff;
	v6 =	vsub.f32 v6, v3;
	v9 =	vmul.f32 $1.442695020e+00, v11;
	(erf) = vpow2.f32 v7  }
0x63: {  	v8 =	vsub.f32 v8, v3;
	v10 =	vpop (erf)  }
0x64: {  	v15 =	vmul.f32 $1.442695020e+00, v6;
	v7 =	vld.idx.msk [tilespmem:v4+s23+$0x100 ss:$0x1], $0xffff;
	v10 =	vadd.f32 v10, v12;
	(erf) = vpow2.f32 v9  }
0x65: {  	v11 =	vmul.f32 $1.442695020e+00, v8;
	v12 =	vpop (erf)  }
0x66: {  	s19 =	simm.s32 $0x800;
	v6 =	vld.idx.msk [tilespmem:v4+s23+$0x180 ss:$0x1], $0xffff;
	v9 =	vsub.f32 v13, v3;
	(erf) = vpow2.f32 v15;
	v12 =	vadd.f32 v12, v10  }
0x67: {  	v8 =	vld.idx.msk [tilespmem:v4+s19+$0xFFFFFE00 ss:$0x1], $0xffff;
	s23 =	simm.s32 $0x3000;
	v10 =	vsub.f32 v14, v3;
	v13 =	vpop (erf)  }
.LBB2_6:
0x68: {  	p0 =	sne.s32 s23, $0x26000;
	v9 =	vmul.f32 $1.442695020e+00, v9;
	(erf) = vpow2.f32 v11;
	v11 =	vadd.f32 v13, v12  }
0x69: {  	v7 =	vsub.f32 v7, v3;
	v12 =	vld.idx.msk [tilespmem:v4+s19+$0xFFFFFE80 ss:$0x1], $0xffff;
	v13 =	vpop (erf)  }
0x6a: {  	v10 =	vmul.f32 $1.442695020e+00, v10;
	(erf) = vpow2.f32 v9;
	v9 =	vadd.f32 v13, v11  }
0x6b: {  	v6 =	vsub.f32 v6, v3;
	v11 =	vld.idx.msk [tilespmem:v4+s19+$0xFFFFFF00 ss:$0x1], $0xffff;
	v13 =	vpop (erf)  }
0x6c: {  	v7 =	vmul.f32 $1.442695020e+00, v7;
	v9 =	vadd.f32 v13, v9;
	(erf) = vpow2.f32 v10  }
0x6d: {  	v8 =	vsub.f32 v8, v3;
	v10 =	vld.idx.msk [tilespmem:v4+s19+$0xFFFFFF80 ss:$0x1], $0xffff;
	v13 =	vpop (erf)  }
0x6e: {  	v6 =	vmul.f32 $1.442695020e+00, v6;
	v9 =	vadd.f32 v13, v9;
	(erf) = vpow2.f32 v7  }
0x6f: {  	v7 =	vsub.f32 v12, v3;
	v12 =	vld.idx.msk [tilespmem:v4+s19+$0x0 ss:$0x1], $0xffff;
	v13 =	vpop (erf)  }
0x70: {  	v8 =	vmul.f32 $1.442695020e+00, v8;
	v15 =	vadd.f32 v13, v9;
	(erf) = vpow2.f32 v6  }
0x71: {  	v6 =	vsub.f32 v11, v3;
	v13 =	vld.idx.msk [tilespmem:v4+s19+$0x80 ss:$0x1], $0xffff;
	v11 =	vpop (erf)  }
0x72: {  	v14 =	vmul.f32 $1.442695020e+00, v7;
	(erf) = vpow2.f32 v8;
	v8 =	vadd.f32 v11, v15  }
.Ltmp1:
0x73: {  	v10 =	vsub.f32 v10, v3;
	v7 =	vld.idx.msk [tilespmem:v4+s19+$0x100 ss:$0x1], $0xffff;
	v9 =	vpop (erf);
	(pc) =	sbr.rel @p0 .LBB2_6-.Ltmp1, $4  }
0x74: {  	v15 =	vmul.f32 $1.442695020e+00, v6;
	(erf) = vpow2.f32 v14;
	v8 =	vadd.f32 v9, v8  }
0x75: {  	v9 =	vsub.f32 v12, v3;
	v6 =	vld.idx.msk [tilespmem:v4+s19+$0x180 ss:$0x1], $0xffff;
	v12 =	vpop (erf)  }
0x76: {  	v11 =	vmul.f32 $1.442695020e+00, v10;
	s19 =	sshra.s32 s23, $0x2;
	(erf) = vpow2.f32 v15;
	v12 =	vadd.f32 v12, v8  }
0x77: {  	s23 =	sadd.s32 $0x1000, s23;
	v10 =	vsub.f32 v13, v3;
	v8 =	vld.idx.msk [tilespmem:v4+s19+$0xFFFFFE00 ss:$0x1], $0xffff;
	v13 =	vpop (erf)  }
0x78: {  	_ =	sdelay $0x1  }
0x79: {  	v12 =	vadd.f32 v13, v12;
	v9 =	vmul.f32 $1.442695020e+00, v9;
	(erf) = vpow2.f32 v11  }
0x7a: {  	v7 =	vsub.f32 v7, v3;
	v22 =	vpop (erf)  }
0x7b: {  	v23 =	vld.idx.msk [tilespmem:v4+s19+$0xFFFFFE80 ss:$0x1], $0xffff;
	v10 =	vmul.f32 $1.442695020e+00, v10;
	v11 =	vadd.f32 v22, v12;
	(erf) = vpow2.f32 v9  }
0x7c: {  	v6 =	vsub.f32 v6, v3;
	v24 =	vpop (erf)  }
0x7d: {  	v25 =	vld.idx.msk [tilespmem:v4+s19+$0xFFFFFF00 ss:$0x1], $0xffff;
	v7 =	vmul.f32 $1.442695020e+00, v7;
	(erf) = vpow2.f32 v10;
	v9 =	vadd.f32 v24, v11  }
0x7e: {  	v28 =	vadd.s32 $0x139, v2;
	v8 =	vsub.f32 v8, v3;
	v26 =	vpop (erf)  }
0x7f: {  	v27 =	vld.idx.msk [tilespmem:v4+s19+$0xFFFFFF80 ss:$0x1], $0xffff;
	v6 =	vmul.f32 $1.442695020e+00, v6;
	(erf) = vpow2.f32 v7;
	v9 =	vadd.f32 v26, v9  }
0x80: {  	v14 =	vld.idx.msk [tilespmem:v4+s19+$0x0 ss:$0x1], $0xffff;
	v30 =	vadd.s32 $0x272, v2;
	v12 =	vsub.f32 v23, v3;
	v29 =	vpop (erf)  }
0x81: {  	v15 =	vld.idx.msk [tilespmem:v2+s2+$0x0], $0xffff;
	v8 =	vmul.f32 $1.442695020e+00, v8;
	(erf) = vpow2.f32 v6;
	v9 =	vadd.f32 v29, v9  }
0x82: {  	v33 =	vadd.s32 $0x3AB, v2;
	v11 =	vsub.f32 v25, v3;
	v31 =	vpop (erf)  }
0x83: {  	v16 =	vld.idx.msk [tilespmem:v4+s19+$0x80 ss:$0x1], $0xffff;
	v12 =	vmul.f32 $1.442695020e+00, v12;
	(erf) = vpow2.f32 v8;
	v32 =	vadd.f32 v31, v9  }
0x84: {  	v35 =	vadd.s32 $0x4E4, v2;
	v10 =	vsub.f32 v27, v3;
	v17 =	vld.idx.msk [tilespmem:v28+s2+$0x0], $0xffff;
	v34 =	vpop (erf)  }
0x85: {  	v18 =	vld.idx.msk [tilespmem:v4+s19+$0x100 ss:$0x1], $0xffff;
	v11 =	vmul.f32 $1.442695020e+00, v11;
	(erf) = vpow2.f32 v12;
	v8 =	vadd.f32 v34, v32  }
0x86: {  	v39 =	vor.u32 s0, v0;
	v37 =	vld.idx.msk [tilespmem:v30+s2+$0x0], $0xffff;
	v15 =	vshll.u32 v15, $0x7;
	v14 =	vsub.f32 v14, v3;
	v36 =	vpop (erf)  }
0x87: {  	v38 =	vld.idx.msk [tilespmem:v4+s19+$0x180 ss:$0x1], $0xffff;
	v10 =	vmul.f32 $1.442695020e+00, v10;
	(erf) = vpow2.f32 v11;
	v8 =	vadd.f32 v36, v8  }
0x88: {  	v20 =	vld.idx.msk [tilespmem:v33+s2+$0x0], $0xffff;
	v16 =	vsub.f32 v16, v3;
	v15 =	vadd.s32 v39, v15;
	v14 =	vmul.f32 $1.442695020e+00, v14;
	v19 =	vpop (erf)  }
0x89: {  	v40 =	vshll.u32 v17, $0x7;
	(erf) = vpow2.f32 v10;
	v8 =	vadd.f32 v19, v8  }
0x8a: {  	v42 =	vld.idx.msk [tilespmem:v35+s2+$0x0], $0xffff;
	v18 =	vsub.f32 v18, v3;
	v16 =	vmul.f32 $1.442695020e+00, v16;
	v10 =	vadd.s32 v39, v40;
	v41 =	vpop (erf)  }
0x8b: {  	v11 =	vshll.u32 v37, $0x7;
	(erf) = vpow2.f32 v14;
	v8 =	vadd.f32 v41, v8  }
0x8c: {  	v44 =	vld.idx.msk [tilespmem:v2+s15+$0x0], $0xffff;
	v4 =	vsub.f32 v38, v3;
	v18 =	vmul.f32 $1.442695020e+00, v18;
	v11 =	vadd.s32 v39, v11;
	v43 =	vpop (erf)  }
0x8d: {  	v46 =	vshll.u32 v20, $0x7;
	v45 =	vld.idx.msk [tilespmem:v15+s21+$0x0], $0xffff;
	(erf) = vpow2.f32 v16;
	v8 =	vadd.f32 v43, v8  }
0x8e: {  	v5 =	vsub.f32 v5, v3;
	v7 =	vld.idx.msk [tilespmem:v28+s15+$0x0], $0xffff;
	v4 =	vmul.f32 $1.442695020e+00, v4;
	v15 =	vadd.s32 v39, v46;
	v47 =	vpop (erf)  }
0x8f: {  	v48 =	vshll.u32 v42, $0x7;
	v10 =	vld.idx.msk [tilespmem:v10+s21+$0x0], $0xffff;
	(erf) = vpow2.f32 v18;
	v8 =	vadd.f32 v47, v8  }
0x90: {  	v6 =	vld.idx.msk [tilespmem:v30+s15+$0x0], $0xffff;
	v13 =	vadd.s32 v39, v48;
	v49 =	vpop (erf)  }
0x91: {  	v5 =	vmul.f32 $1.442695020e+00, v5;
	v50 =	vld.idx.msk [tilespmem:v11+s21+$0x0], $0xffff;
	(erf) = vpow2.f32 v4;
	v8 =	vadd.f32 v49, v8  }
0x92: {  	v9 =	vld.idx.msk [tilespmem:v33+s15+$0x0], $0xffff;
	v51 =	vmul.f32 v45, v44;
	v52 =	vpop (erf)  }
0x93: {  	v53 =	vld.idx.msk [tilespmem:v15+s21+$0x0], $0xffff;
	(erf) = vpow2.f32 v5;
	v8 =	vadd.f32 v52, v8  }
0x94: {  	v55 =	vld.idx.msk [tilespmem:v35+s15+$0x0], $0xffff;
	v54 =	vadd.f32 $0.0e+00, v51;
	v7 =	vmul.f32 v10, v7;
	v56 =	vpop (erf)  }
0x95: {  	v57 =	vld.idx.msk [tilespmem:v13+s21+$0x0], $0xffff;
	v8 =	vadd.f32 v56, v8  }
0x96: {  	v4 =	vmul.f32 v50, v6;
	v5 =	vadd.f32 v7, v54;
	v58 =	vpop (erf)  }
0x97: {  	v6 =	vadd.f32 v58, v8  }
0x98: {  	v59 =	vmul.f32 v53, v9;
	v4 =	vadd.f32 v4, v5;
	v60 =	vpop (erf)  }
0x99: {  	v6 =	vadd.f32 v60, v6  }
0x9a: {  	v61 =	vmul.f32 v57, v55;
	v4 =	vadd.f32 v59, v4;
	v62 =	vpop (erf)  }
0x9b: {  	v6 =	vadd.f32 v62, v6  }
0x9c: {  	s23 =	sor.u32 s31, s0;
	v4 =	vadd.f32 v61, v4;
	v63 =	vpop (erf)  }
0x9d: {  	[tilespmem:s23+$0xC280] =	vst v3;
	v5 =	vadd.f32 v6, v63  }
0x9e: {  	[tilespmem:s23+$0xBE80] =	vst v4  }
0x9f: {  	s30 =	sadd.s32 $0x1, s30;
	[tilespmem:s23+$0xC680] =	vst v5  }
0xa0: {  	p0 =	sne.s32 s30, $0x8;
	v2 =	vld.idx.msk [tilespmem:v2+s16+$0x0], $0xffff  }
.Ltmp2:
0xa1: {  	_ = 	snop;
	(pc) =	sbr.rel @p0 .LBB2_3-.Ltmp2, $2  }
0xa2: {  	_ =	sdelay $0x2  }
0xa3: {  	s1 =	sadd.s32 $0x10, s1;
	[tilespmem:s23+$0xCA80] =	vst v2  }
0xa4: {  	s29 =	sadd.s32 $0x1, s29  }
0xa5: {  	p0 =	sne.s32 s29, $0x8  }
.Ltmp3:
0xa6: {  	_ = 	snop;
	(pc) =	sbr.rel @p0 .LBB2_2-.Ltmp3, $1  }
0xa7: {  	_ =	sdelay $0x3  }
0xa8: {  	s0 =	simm.s32 $0xBE80  }
0xa9: {  	[hbm4b:s9+s17] =	stream.strided.scatter [tilespmem:s0], [sflag:$0x1], $0x400, s18, s17, $0x38;
	[tilespmem:$0xCE80] =	vst v63  }
0xaa: {  	_ =	swait.ge [sflag:s14], $0x400  }
0xab: {  	[sflag:s14] =	ssyncset.done $0x0  }
0xac: {  	s31 =	simm.s32 $0xC280;
	[sflag:s14] =	ssyncadd.s32 $0xFFFFFC00  }
0xad: {  	[hbm4b:s10+s17] =	stream.strided.scatter [tilespmem:s31], [sflag:$0x1], $0x400, s18, s17, $0x38;
	[tilespmem:$0xCE80] =	vst v63  }
0xae: {  	_ =	swait.ge [sflag:s14], $0x400  }
0xaf: {  	[sflag:s14] =	ssyncset.done $0x0  }
0xb0: {  	[sflag:s14] =	ssyncadd.s32 $0xFFFFFC00  }
0xb1: {  	[hbm4b:s11+s17] =	stream.strided.scatter [tilespmem:s25], [sflag:$0x1], $0x400, s18, s17, $0x38;
	[tilespmem:$0xCE80] =	vst v63  }
0xb2: {  	s28 =	sadd.s32 $0x1, s28;
	_ =	swait.ge [sflag:s14], $0x400  }
0xb3: {  	p0 =	sne.s32 s28, s13;
	[sflag:s14] =	ssyncset.done $0x0  }
.Ltmp4:
0xb4: {  	[sflag:s14] =	ssyncadd.s32 $0xFFFFFC00;
	(pc) =	sbr.rel @p0 .LBB2_1-.Ltmp4, $4  }
0xb5: {  	[hbm4b:s12+s17] =	stream.strided.scatter [tilespmem:s26], [sflag:$0x1], $0x400, s18, s17, $0x38;
	[tilespmem:$0xCE80] =	vst v63  }
0xb6: {  	_ =	swait.ge [sflag:s14], $0x400  }
0xb7: {  	[sflag:s14] =	ssyncset.done $0x0  }
0xb8: {  	[sflag:s14] =	ssyncadd.s32 $0xFFFFFC00  }
0xb9: {  	_ =	sfence.sel $0x180000  }
0xba: {  	[bflag:$0x0] =	sbarrier.arrive $0xFFFF  }
0xbb: {  	_ =	strace $0x90000047  }
0xbc: {  	s0 =	stileid.u32;
	[bflag:$0x2] =	sbarrier.arrive $0xFFFF  }
0xbd: {  	p0 =	sne.s32 s0, $0x0;
	s0 =	rddreg [dreg:$0x1]  }
0xbe: {  	s0 =	sadd.s32 @!p0 $0x100000, s0  }
0xbf: {  	[sflag:s0] =	ssyncadd.tile.s32 @!p0 $0x1;
	_ =	shalt  }
.Lfunc_end2:
_tile_overlayer_lowered:
.L_overlay_start_2:
0xc0: {  	(tag) =	ssettag $0x2  }
0xc1: {  	s0 =	rddreg [dreg:$0x0];
	s2 =	stileid.u32  }
0xc2: {  	s1 =	rddreg [dreg:$0x1];
	p0 =	sne.s32 s2, $0x0  }
0xc3: {  	s3 =	rddreg [dreg:$0x2];
	[bflag:$0x3] =	sbarrier.arrive $0xFFFF;
	s2 =	simm.s32 @!p0 $0x1C01  }
0xc4: {  	[timem:s3], [sflag:s2] =	dma.local @!p0 [hbm:s0], s1  }
0xc5: {  	s0 =	simm.s32 @!p0 $0x1  }
0xc6: {  	_ =	swait.ge @!p0 [sflag:s0], s1  }
0xc7: {  	s1 =	ssub.s32 @!p0 $0x0, s1;
	[sflag:s0] =	ssyncset.done @!p0 $0x0  }
0xc8: {  	[sflag:s0] =	ssyncadd.s32 @!p0 s1  }
0xc9: {  	[bflag:$0x3] =	sbarrier.arrive $0xFFFF  }
0xca: {  	_ =	shalt  }

</sc_bundles>
